<compile_context>
chip_gen: v7x
topology: tpu7x:2x2x1
jax: 0.10.2.dev20260603
libtpu: 0.0.44.dev20260713+nightly
codegen_flags: <defaults>
</compile_context>

<pallas_src>
import functools

import jax
import jax.numpy as jnp
from jax import lax
from jax.experimental import pallas as pl
from jax.experimental.pallas import tpu as pltpu
from jax.experimental.pallas import tpu_sc as plsc

LANES = 16
P = 4


def _sc_kernel(x, pos_table, rows=None):
    seq_len, batch, d_model = x.shape
    if rows is None:
        rows = seq_len
    info = plsc.get_sparse_core_info()
    nw = info.num_cores * info.num_subcores
    spw = rows // nw
    nch = spw // P

    mesh = plsc.VectorSubcoreMesh(core_axis_name="c", subcore_axis_name="s")

    nslot = 4
    unroll = 2

    @functools.partial(
        pl.kernel,
        mesh=mesh,
        out_type=jax.ShapeDtypeStruct((rows, batch, d_model), x.dtype),
        scratch_types=[
            pltpu.VMEM((nslot, P, batch, d_model), jnp.float32),
            pltpu.VMEM((nslot, P, d_model), jnp.float32),
        ]
        + [pltpu.SemaphoreType.DMA] * (3 * nslot),
    )
    def sc_add(x_hbm, pos_hbm, out_hbm, xin, pin, *sems):
        wid = lax.axis_index("s") * info.num_cores + lax.axis_index("c")
        base = wid * spw
        sx = sems[0:nslot]
        sp = sems[nslot:2 * nslot]
        so = sems[2 * nslot:3 * nslot]

        def issue_in(i):
            s = i % nslot
            s0 = base + i * P
            cx = pltpu.async_copy(x_hbm.at[pl.ds(s0, P)], xin.at[s], sx[s])
            cp = pltpu.async_copy(pos_hbm.at[pl.ds(s0, P)], pin.at[s], sp[s])
            return cx, cp

        handles_in = {0: issue_in(0)}
        if nch > 1:
            handles_in[1] = issue_in(1)
        handles_out = {}
        for i in range(nch):
            s = i % nslot
            cx, cp = handles_in.pop(i)
            cx.wait()
            cp.wait()
            if i + 2 < nch:
                if i - 2 >= 0:
                    handles_out.pop(i - 2).wait()
                handles_in[i + 2] = issue_in(i + 2)

            def body(j, _):
                for u in range(unroll):
                    off = (j * unroll + u) * LANES
                    for p in range(P):
                        pv = pin[s, p, pl.ds(off, LANES)]
                        for b in range(batch):
                            plsc.addupdate(
                                xin.at[s, p, b, pl.ds(off, LANES)], pv
                            )
                return 0

            lax.fori_loop(0, d_model // (LANES * unroll), body, 0)
            s0 = base + i * P
            handles_out[i] = pltpu.async_copy(
                xin.at[s], out_hbm.at[pl.ds(s0, P)], so[s]
            )
        for i in sorted(handles_out):
            handles_out.pop(i).wait()

    return sc_add(x, pos_table[:seq_len])


def _tc_body(x_ref, pos_ref, out_ref):
    pos = pos_ref[...]
    for b in range(x_ref.shape[1]):
        out_ref[:, b, :] = x_ref[:, b, :] + pos


def _tc_kernel(x, pos_table, start=0, blk=256):
    seq_len, batch, d_model = x.shape
    off = start // blk
    grid = ((seq_len - start) // blk,)
    return pl.pallas_call(
        _tc_body,
        grid=grid,
        in_specs=[
            pl.BlockSpec((blk, batch, d_model), lambda i: (i + off, 0, 0)),
            pl.BlockSpec((blk, d_model), lambda i: (i + off, 0)),
        ],
        out_specs=pl.BlockSpec((blk, batch, d_model), lambda i: (i + off, 0, 0)),
        out_shape=jax.ShapeDtypeStruct((seq_len, batch, d_model), x.dtype),
        compiler_params=pltpu.CompilerParams(
            dimension_semantics=("arbitrary",),
        ),
    )(x, pos_table[:seq_len])


SC_ROWS = 128


def kernel(x, pos_table):
    sc_part = _sc_kernel(x, pos_table, rows=SC_ROWS)
    tc_full = _tc_kernel(x, pos_table, start=SC_ROWS, blk=128)
    return lax.dynamic_update_slice(tc_full, sc_part, (0, 0, 0))

# --- scband reference (transcript-rebuilt; emitter-appended) ---
"""Pipeline reference for scband-learned-positional-encoding-77472620085689 (READ-ONLY COPY).

The authoritative reference and input builder live on the scoring server;
editing this copy changes nothing except your own understanding.
"""

import jax, jax.numpy as jnp
import numpy as np

D_MODEL = 1024
MAX_SEQ_LEN = 2048
SEQ_LEN = 2048
BATCH = 4


def setup_inputs(seed: int = 0) -> dict:
    key = jax.random.key(seed)
    k1, k2 = jax.random.split(key)
    x = jax.random.normal(k1, (SEQ_LEN, BATCH, D_MODEL), dtype=jnp.float32)
    # learned position embedding table, like nn.Embedding default init N(0,1)
    pos_table = jax.random.normal(k2, (MAX_SEQ_LEN, D_MODEL), dtype=jnp.float32)
    return {"x": x, "pos_table": pos_table}


def reference(x, pos_table):
    seq_len = x.shape[0]
    batch = x.shape[1]
    # positions: [batch, seq_len] like torch.arange(seq_len).expand(batch, seq_len)
    positions = jnp.broadcast_to(jnp.arange(seq_len, dtype=jnp.int32), (batch, seq_len))
    # embedding lookup -> [batch, seq_len, d_model]
    position_embeddings = jnp.take(pos_table, positions, axis=0)
    # permute(1, 0, 2) -> [seq_len, batch, d_model]
    position_embeddings = jnp.transpose(position_embeddings, (1, 0, 2))
    return x + position_embeddings

if __name__ == "__main__":
    import jax
    _d = setup_inputs()
    print(jax.jit(kernel)(*tuple(_d.values())))

</pallas_src>

<mosaic_0001>
#map = affine_map<(d0, d1) -> (0, 0, 0)>
#map1 = affine_map<(d0, d1) -> (0, 0)>
module attributes {stable_mosaic.version = 14 : i64} {
  func.func @sc_add(%arg0: i32, %arg1: i32, %arg2: memref<2048x4x1024xf32, #tpu.memory_space<hbm>>, %arg3: memref<2048x1024xf32, #tpu.memory_space<hbm>>, %arg4: memref<128x4x1024xf32, #tpu.memory_space<hbm>>, %arg5: memref<4x4x4x1024xf32, #tpu.memory_space<vmem>>, %arg6: memref<4x4x1024xf32, #tpu.memory_space<vmem>>, %arg7: memref<!tpu.dma_semaphore, #tpu.memory_space<semaphore_mem>>, %arg8: memref<!tpu.dma_semaphore, #tpu.memory_space<semaphore_mem>>, %arg9: memref<!tpu.dma_semaphore, #tpu.memory_space<semaphore_mem>>, %arg10: memref<!tpu.dma_semaphore, #tpu.memory_space<semaphore_mem>>, %arg11: memref<!tpu.dma_semaphore, #tpu.memory_space<semaphore_mem>>, %arg12: memref<!tpu.dma_semaphore, #tpu.memory_space<semaphore_mem>>, %arg13: memref<!tpu.dma_semaphore, #tpu.memory_space<semaphore_mem>>, %arg14: memref<!tpu.dma_semaphore, #tpu.memory_space<semaphore_mem>>, %arg15: memref<!tpu.dma_semaphore, #tpu.memory_space<semaphore_mem>>, %arg16: memref<!tpu.dma_semaphore, #tpu.memory_space<semaphore_mem>>, %arg17: memref<!tpu.dma_semaphore, #tpu.memory_space<semaphore_mem>>, %arg18: memref<!tpu.dma_semaphore, #tpu.memory_space<semaphore_mem>>) attributes {dimension_semantics = [#tpu.dimension_semantics<core_parallel>, #tpu.dimension_semantics<subcore_parallel>], iteration_bounds = array<i64: 2, 16>, scalar_prefetch = 0 : i64, scratch_operands = 14 : i64, tpu.core_type = #tpu.core_type<sc_vector_subcore>, window_params = [{transform_indices = #map}, {transform_indices = #map1}, {transform_indices = #map}]} {
    %mul3A = arith.constant 2 : i32
    %mul3A_0 = arith.muli %arg1, %mul3A : i32
    %add3A = arith.addi %mul3A_0, %arg0 : i32
    %mul3A_1 = arith.constant 4 : i32
    %mul3A_2 = arith.muli %add3A, %mul3A_1 : i32
    %add3A_3 = arith.constant 0 : i32
    %add3A_4 = arith.addi %mul3A_2, %add3A_3 : i32
    %dma_start3A = arith.constant 0 : i32
    %dma_start3A_5 = arith.constant 0 : i32
    %dma_start3A_6 = arith.constant 0 : i32
    %dma_start3A_7 = arith.constant 0 : i32
    %dma_start3A_8 = tpu.memref_slice %arg5[%dma_start3A, %dma_start3A_5, %dma_start3A_6, %dma_start3A_7] : memref<4x4x4x1024xf32, #tpu.memory_space<vmem>> -> memref<1x4x4x1024xf32, #tpu.memory_space<vmem>>
    %dma_start3A_9 = tpu.memref_squeeze %dma_start3A_8 : memref<1x4x4x1024xf32, #tpu.memory_space<vmem>> -> memref<4x4x1024xf32, #tpu.memory_space<vmem>>
    %dma_start3A_10 = arith.constant 0 : i32
    %dma_start3A_11 = arith.constant 0 : i32
    %dma_start3A_12 = tpu.memref_slice %arg2[%add3A_4, %dma_start3A_10, %dma_start3A_11] : memref<2048x4x1024xf32, #tpu.memory_space<hbm>> -> memref<4x4x1024xf32, #tpu.memory_space<hbm>>
    %dma_start3A_13 = arith.constant 0 : i32
    %dma_start3A_14 = arith.constant 0 : i32
    %dma_start3A_15 = arith.constant 0 : i32
    %dma_start3A_16 = tpu.memref_slice %arg5[%dma_start3A, %dma_start3A_13, %dma_start3A_14, %dma_start3A_15] : memref<4x4x4x1024xf32, #tpu.memory_space<vmem>> -> memref<1x4x4x1024xf32, #tpu.memory_space<vmem>>
    %dma_start3A_17 = tpu.memref_squeeze %dma_start3A_16 : memref<1x4x4x1024xf32, #tpu.memory_space<vmem>> -> memref<4x4x1024xf32, #tpu.memory_space<vmem>>
    %dma_start3A_18 = arith.constant 0 : i32
    %dma_start3A_19 = arith.constant 0 : i32
    %dma_start3A_20 = tpu.memref_slice %arg2[%add3A_4, %dma_start3A_18, %dma_start3A_19] : memref<2048x4x1024xf32, #tpu.memory_space<hbm>> -> memref<4x4x1024xf32, #tpu.memory_space<hbm>>
    tpu.enqueue_dma source(%dma_start3A_20 : memref<4x4x1024xf32, #tpu.memory_space<hbm>>) target(%dma_start3A_17 : memref<4x4x1024xf32, #tpu.memory_space<vmem>>) target_semaphore(%arg7 : memref<!tpu.dma_semaphore, #tpu.memory_space<semaphore_mem>>)
    %dma_start3A_21 = arith.constant 0 : i32
    %dma_start3A_22 = arith.constant 0 : i32
    %dma_start3A_23 = arith.constant 0 : i32
    %dma_start3A_24 = tpu.memref_slice %arg6[%dma_start3A_21, %dma_start3A_22, %dma_start3A_23] : memref<4x4x1024xf32, #tpu.memory_space<vmem>> -> memref<1x4x1024xf32, #tpu.memory_space<vmem>>
    %dma_start3A_25 = tpu.memref_squeeze %dma_start3A_24 : memref<1x4x1024xf32, #tpu.memory_space<vmem>> -> memref<4x1024xf32, #tpu.memory_space<vmem>>
    %dma_start3A_26 = arith.constant 0 : i32
    %dma_start3A_27 = tpu.memref_slice %arg3[%add3A_4, %dma_start3A_26] : memref<2048x1024xf32, #tpu.memory_space<hbm>> -> memref<4x1024xf32, #tpu.memory_space<hbm>>
    %dma_start3A_28 = arith.constant 0 : i32
    %dma_start3A_29 = arith.constant 0 : i32
    %dma_start3A_30 = tpu.memref_slice %arg6[%dma_start3A_21, %dma_start3A_28, %dma_start3A_29] : memref<4x4x1024xf32, #tpu.memory_space<vmem>> -> memref<1x4x1024xf32, #tpu.memory_space<vmem>>
    %dma_start3A_31 = tpu.memref_squeeze %dma_start3A_30 : memref<1x4x1024xf32, #tpu.memory_space<vmem>> -> memref<4x1024xf32, #tpu.memory_space<vmem>>
    %dma_start3A_32 = arith.constant 0 : i32
    %dma_start3A_33 = tpu.memref_slice %arg3[%add3A_4, %dma_start3A_32] : memref<2048x1024xf32, #tpu.memory_space<hbm>> -> memref<4x1024xf32, #tpu.memory_space<hbm>>
    tpu.enqueue_dma source(%dma_start3A_33 : memref<4x1024xf32, #tpu.memory_space<hbm>>) target(%dma_start3A_31 : memref<4x1024xf32, #tpu.memory_space<vmem>>) target_semaphore(%arg11 : memref<!tpu.dma_semaphore, #tpu.memory_space<semaphore_mem>>)
    %dma_wait3A = arith.constant 0 : i32
    %dma_wait3A_34 = arith.constant 0 : i32
    %dma_wait3A_35 = arith.constant 0 : i32
    %dma_wait3A_36 = arith.constant 0 : i32
    %dma_wait3A_37 = tpu.memref_slice %arg5[%dma_wait3A, %dma_wait3A_34, %dma_wait3A_35, %dma_wait3A_36] : memref<4x4x4x1024xf32, #tpu.memory_space<vmem>> -> memref<1x4x4x1024xf32, #tpu.memory_space<vmem>>
    %dma_wait3A_38 = tpu.memref_squeeze %dma_wait3A_37 : memref<1x4x4x1024xf32, #tpu.memory_space<vmem>> -> memref<4x4x1024xf32, #tpu.memory_space<vmem>>
    %dma_wait3A_39 = arith.constant 0 : i32
    %dma_wait3A_40 = arith.constant 0 : i32
    %dma_wait3A_41 = tpu.memref_slice %arg2[%add3A_4, %dma_wait3A_39, %dma_wait3A_40] : memref<2048x4x1024xf32, #tpu.memory_space<hbm>> -> memref<4x4x1024xf32, #tpu.memory_space<hbm>>
    %dma_wait3A_42 = arith.constant 0 : i32
    %dma_wait3A_43 = arith.constant 0 : i32
    %dma_wait3A_44 = arith.constant 0 : i32
    %dma_wait3A_45 = tpu.memref_slice %arg5[%dma_wait3A, %dma_wait3A_42, %dma_wait3A_43, %dma_wait3A_44] : memref<4x4x4x1024xf32, #tpu.memory_space<vmem>> -> memref<1x4x4x1024xf32, #tpu.memory_space<vmem>>
    %dma_wait3A_46 = tpu.memref_squeeze %dma_wait3A_45 : memref<1x4x4x1024xf32, #tpu.memory_space<vmem>> -> memref<4x4x1024xf32, #tpu.memory_space<vmem>>
    %dma_wait3A_47 = arith.constant 0 : i32
    %dma_wait3A_48 = arith.constant 0 : i32
    %dma_wait3A_49 = tpu.memref_slice %arg2[%add3A_4, %dma_wait3A_47, %dma_wait3A_48] : memref<2048x4x1024xf32, #tpu.memory_space<hbm>> -> memref<4x4x1024xf32, #tpu.memory_space<hbm>>
    tpu.wait_dma2 semaphore(%arg7 : memref<!tpu.dma_semaphore, #tpu.memory_space<semaphore_mem>>) src(%dma_wait3A_49 : memref<4x4x1024xf32, #tpu.memory_space<hbm>>) dst(%dma_wait3A_46 : memref<4x4x1024xf32, #tpu.memory_space<vmem>>)
    %dma_wait3A_50 = arith.constant 0 : i32
    %dma_wait3A_51 = arith.constant 0 : i32
    %dma_wait3A_52 = arith.constant 0 : i32
    %dma_wait3A_53 = tpu.memref_slice %arg6[%dma_wait3A_50, %dma_wait3A_51, %dma_wait3A_52] : memref<4x4x1024xf32, #tpu.memory_space<vmem>> -> memref<1x4x1024xf32, #tpu.memory_space<vmem>>
    %dma_wait3A_54 = tpu.memref_squeeze %dma_wait3A_53 : memref<1x4x1024xf32, #tpu.memory_space<vmem>> -> memref<4x1024xf32, #tpu.memory_space<vmem>>
    %dma_wait3A_55 = arith.constant 0 : i32
    %dma_wait3A_56 = tpu.memref_slice %arg3[%add3A_4, %dma_wait3A_55] : memref<2048x1024xf32, #tpu.memory_space<hbm>> -> memref<4x1024xf32, #tpu.memory_space<hbm>>
    %dma_wait3A_57 = arith.constant 0 : i32
    %dma_wait3A_58 = arith.constant 0 : i32
    %dma_wait3A_59 = tpu.memref_slice %arg6[%dma_wait3A_50, %dma_wait3A_57, %dma_wait3A_58] : memref<4x4x1024xf32, #tpu.memory_space<vmem>> -> memref<1x4x1024xf32, #tpu.memory_space<vmem>>
    %dma_wait3A_60 = tpu.memref_squeeze %dma_wait3A_59 : memref<1x4x1024xf32, #tpu.memory_space<vmem>> -> memref<4x1024xf32, #tpu.memory_space<vmem>>
    %dma_wait3A_61 = arith.constant 0 : i32
    %dma_wait3A_62 = tpu.memref_slice %arg3[%add3A_4, %dma_wait3A_61] : memref<2048x1024xf32, #tpu.memory_space<hbm>> -> memref<4x1024xf32, #tpu.memory_space<hbm>>
    tpu.wait_dma2 semaphore(%arg11 : memref<!tpu.dma_semaphore, #tpu.memory_space<semaphore_mem>>) src(%dma_wait3A_62 : memref<4x1024xf32, #tpu.memory_space<hbm>>) dst(%dma_wait3A_60 : memref<4x1024xf32, #tpu.memory_space<vmem>>)
    %scan3A = arith.constant 0 : i32
    %scan3A_63 = arith.constant 0 : i32
    %scan3A_64 = arith.constant 32 : i32
    %scan3A_65 = arith.addi %scan3A_63, %scan3A_64 : i32
    %scan3A_66 = arith.constant 1 : i32
    %scan3A_67 = scf.for %scan3A_105 = %scan3A_63 to %scan3A_65 step %scan3A_66 iter_args(%scan3A_106 = %scan3A) -> (i32)  : i32 {
      %mul3A_107 = arith.constant 2 : i32
      %mul3A_108 = arith.muli %scan3A_105, %mul3A_107 : i32
      %add3A_109 = arith.constant 0 : i32
      %add3A_110 = arith.addi %mul3A_108, %add3A_109 : i32
      %mul3A_111 = arith.constant 16 : i32
      %mul3A_112 = arith.muli %add3A_110, %mul3A_111 : i32
      %get3A = arith.constant 0 : i32
      %get3A_113 = arith.constant 0 : i32
      %get3A_114 = arith.index_cast %get3A : i32 to index
      %get3A_115 = arith.index_cast %get3A_113 : i32 to index
      %get3A_116 = arith.index_cast %mul3A_112 : i32 to index
      %get3A_117 = tpu.vector_load %arg6[%get3A_114, %get3A_115, %get3A_116] {strides = array<i32>} : memref<4x4x1024xf32, #tpu.memory_space<vmem>>, vector<1x1x16xf32>,
      %get3A_118 = vector.shape_cast %get3A_117 : vector<1x1x16xf32> to vector<16xf32>
      %swap3A = arith.constant 0 : i32
      %swap3A_119 = arith.constant 0 : i32
      %swap3A_120 = arith.constant 0 : i32
      %swap3A_121 = arith.index_cast %swap3A : i32 to index
      %swap3A_122 = arith.index_cast %swap3A_119 : i32 to index
      %swap3A_123 = arith.index_cast %swap3A_120 : i32 to index
      %swap3A_124 = arith.index_cast %mul3A_112 : i32 to index
      %swap3A_125 = tpu.vector_load %arg5[%swap3A_121, %swap3A_122, %swap3A_123, %swap3A_124] {strides = array<i32>} : memref<4x4x4x1024xf32, #tpu.memory_space<vmem>>, vector<1x1x1x16xf32>,
      %swap3A_126 = vector.shape_cast %swap3A_125 : vector<1x1x1x16xf32> to vector<16xf32>
      %swap3A_127 = vector.shape_cast %get3A_118 : vector<16xf32> to vector<1x1x1x16xf32>
      tpu.vector_store %arg5[%swap3A_121, %swap3A_122, %swap3A_123, %swap3A_124], %swap3A_127 {add = true, strides = array<i32>} : memref<4x4x4x1024xf32, #tpu.memory_space<vmem>>, vector<1x1x1x16xf32>,
      %swap3A_128 = arith.constant 0 : i32
      %swap3A_129 = arith.constant 0 : i32
      %swap3A_130 = arith.constant 1 : i32
      %swap3A_131 = arith.index_cast %swap3A_128 : i32 to index
      %swap3A_132 = arith.index_cast %swap3A_129 : i32 to index
      %swap3A_133 = arith.index_cast %swap3A_130 : i32 to index
      %swap3A_134 = arith.index_cast %mul3A_112 : i32 to index
      %swap3A_135 = tpu.vector_load %arg5[%swap3A_131, %swap3A_132, %swap3A_133, %swap3A_134] {strides = array<i32>} : memref<4x4x4x1024xf32, #tpu.memory_space<vmem>>, vector<1x1x1x16xf32>,
      %swap3A_136 = vector.shape_cast %swap3A_135 : vector<1x1x1x16xf32> to vector<16xf32>
      %swap3A_137 = vector.shape_cast %get3A_118 : vector<16xf32> to vector<1x1x1x16xf32>
      tpu.vector_store %arg5[%swap3A_131, %swap3A_132, %swap3A_133, %swap3A_134], %swap3A_137 {add = true, strides = array<i32>} : memref<4x4x4x1024xf32, #tpu.memory_space<vmem>>, vector<1x1x1x16xf32>,
      %swap3A_138 = arith.constant 0 : i32
      %swap3A_139 = arith.constant 0 : i32
      %swap3A_140 = arith.constant 2 : i32
      %swap3A_141 = arith.index_cast %swap3A_138 : i32 to index
      %swap3A_142 = arith.index_cast %swap3A_139 : i32 to index
      %swap3A_143 = arith.index_cast %swap3A_140 : i32 to index
      %swap3A_144 = arith.index_cast %mul3A_112 : i32 to index
      %swap3A_145 = tpu.vector_load %arg5[%swap3A_141, %swap3A_142, %swap3A_143, %swap3A_144] {strides = array<i32>} : memref<4x4x4x1024xf32, #tpu.memory_space<vmem>>, vector<1x1x1x16xf32>,
      %swap3A_146 = vector.shape_cast %swap3A_145 : vector<1x1x1x16xf32> to vector<16xf32>
      %swap3A_147 = vector.shape_cast %get3A_118 : vector<16xf32> to vector<1x1x1x16xf32>
      tpu.vector_store %arg5[%swap3A_141, %swap3A_142, %swap3A_143, %swap3A_144], %swap3A_147 {add = true, strides = array<i32>} : memref<4x4x4x1024xf32, #tpu.memory_space<vmem>>, vector<1x1x1x16xf32>,
      %swap3A_148 = arith.constant 0 : i32
      %swap3A_149 = arith.constant 0 : i32
      %swap3A_150 = arith.constant 3 : i32
      %swap3A_151 = arith.index_cast %swap3A_148 : i32 to index
      %swap3A_152 = arith.index_cast %swap3A_149 : i32 to index
      %swap3A_153 = arith.index_cast %swap3A_150 : i32 to index
      %swap3A_154 = arith.index_cast %mul3A_112 : i32 to index
      %swap3A_155 = tpu.vector_load %arg5[%swap3A_151, %swap3A_152, %swap3A_153, %swap3A_154] {strides = array<i32>} : memref<4x4x4x1024xf32, #tpu.memory_space<vmem>>, vector<1x1x1x16xf32>,
      %swap3A_156 = vector.shape_cast %swap3A_155 : vector<1x1x1x16xf32> to vector<16xf32>
      %swap3A_157 = vector.shape_cast %get3A_118 : vector<16xf32> to vector<1x1x1x16xf32>
      tpu.vector_store %arg5[%swap3A_151, %swap3A_152, %swap3A_153, %swap3A_154], %swap3A_157 {add = true, strides = array<i32>} : memref<4x4x4x1024xf32, #tpu.memory_space<vmem>>, vector<1x1x1x16xf32>,
      %get3A_158 = arith.constant 0 : i32
      %get3A_159 = arith.constant 1 : i32
      %get3A_160 = arith.index_cast %get3A_158 : i32 to index
      %get3A_161 = arith.index_cast %get3A_159 : i32 to index
      %get3A_162 = arith.index_cast %mul3A_112 : i32 to index
      %get3A_163 = tpu.vector_load %arg6[%get3A_160, %get3A_161, %get3A_162] {strides = array<i32>} : memref<4x4x1024xf32, #tpu.memory_space<vmem>>, vector<1x1x16xf32>,
      %get3A_164 = vector.shape_cast %get3A_163 : vector<1x1x16xf32> to vector<16xf32>
      %swap3A_165 = arith.constant 0 : i32
      %swap3A_166 = arith.constant 1 : i32
      %swap3A_167 = arith.constant 0 : i32
      %swap3A_168 = arith.index_cast %swap3A_165 : i32 to index
      %swap3A_169 = arith.index_cast %swap3A_166 : i32 to index
      %swap3A_170 = arith.index_cast %swap3A_167 : i32 to index
      %swap3A_171 = arith.index_cast %mul3A_112 : i32 to index
      %swap3A_172 = tpu.vector_load %arg5[%swap3A_168, %swap3A_169, %swap3A_170, %swap3A_171] {strides = array<i32>} : memref<4x4x4x1024xf32, #tpu.memory_space<vmem>>, vector<1x1x1x16xf32>,
      %swap3A_173 = vector.shape_cast %swap3A_172 : vector<1x1x1x16xf32> to vector<16xf32>
      %swap3A_174 = vector.shape_cast %get3A_164 : vector<16xf32> to vector<1x1x1x16xf32>
      tpu.vector_store %arg5[%swap3A_168, %swap3A_169, %swap3A_170, %swap3A_171], %swap3A_174 {add = true, strides = array<i32>} : memref<4x4x4x1024xf32, #tpu.memory_space<vmem>>, vector<1x1x1x16xf32>,
      %swap3A_175 = arith.constant 0 : i32
      %swap3A_176 = arith.constant 1 : i32
      %swap3A_177 = arith.constant 1 : i32
      %swap3A_178 = arith.index_cast %swap3A_175 : i32 to index
      %swap3A_179 = arith.index_cast %swap3A_176 : i32 to index
      %swap3A_180 = arith.index_cast %swap3A_177 : i32 to index
      %swap3A_181 = arith.index_cast %mul3A_112 : i32 to index
      %swap3A_182 = tpu.vector_load %arg5[%swap3A_178, %swap3A_179, %swap3A_180, %swap3A_181] {strides = array<i32>} : memref<4x4x4x1024xf32, #tpu.memory_space<vmem>>, vector<1x1x1x16xf32>,
      %swap3A_183 = vector.shape_cast %swap3A_182 : vector<1x1x1x16xf32> to vector<16xf32>
      %swap3A_184 = vector.shape_cast %get3A_164 : vector<16xf32> to vector<1x1x1x16xf32>
      tpu.vector_store %arg5[%swap3A_178, %swap3A_179, %swap3A_180, %swap3A_181], %swap3A_184 {add = true, strides = array<i32>} : memref<4x4x4x1024xf32, #tpu.memory_space<vmem>>, vector<1x1x1x16xf32>,
      %swap3A_185 = arith.constant 0 : i32
      %swap3A_186 = arith.constant 1 : i32
      %swap3A_187 = arith.constant 2 : i32
      %swap3A_188 = arith.index_cast %swap3A_185 : i32 to index
      %swap3A_189 = arith.index_cast %swap3A_186 : i32 to index
      %swap3A_190 = arith.index_cast %swap3A_187 : i32 to index
      %swap3A_191 = arith.index_cast %mul3A_112 : i32 to index
      %swap3A_192 = tpu.vector_load %arg5[%swap3A_188, %swap3A_189, %swap3A_190, %swap3A_191] {strides = array<i32>} : memref<4x4x4x1024xf32, #tpu.memory_space<vmem>>, vector<1x1x1x16xf32>,
      %swap3A_193 = vector.shape_cast %swap3A_192 : vector<1x1x1x16xf32> to vector<16xf32>
      %swap3A_194 = vector.shape_cast %get3A_164 : vector<16xf32> to vector<1x1x1x16xf32>
      tpu.vector_store %arg5[%swap3A_188, %swap3A_189, %swap3A_190, %swap3A_191], %swap3A_194 {add = true, strides = array<i32>} : memref<4x4x4x1024xf32, #tpu.memory_space<vmem>>, vector<1x1x1x16xf32>,
      %swap3A_195 = arith.constant 0 : i32
      %swap3A_196 = arith.constant 1 : i32
      %swap3A_197 = arith.constant 3 : i32
      %swap3A_198 = arith.index_cast %swap3A_195 : i32 to index
      %swap3A_199 = arith.index_cast %swap3A_196 : i32 to index
      %swap3A_200 = arith.index_cast %swap3A_197 : i32 to index
      %swap3A_201 = arith.index_cast %mul3A_112 : i32 to index
      %swap3A_202 = tpu.vector_load %arg5[%swap3A_198, %swap3A_199, %swap3A_200, %swap3A_201] {strides = array<i32>} : memref<4x4x4x1024xf32, #tpu.memory_space<vmem>>, vector<1x1x1x16xf32>,
      %swap3A_203 = vector.shape_cast %swap3A_202 : vector<1x1x1x16xf32> to vector<16xf32>
      %swap3A_204 = vector.shape_cast %get3A_164 : vector<16xf32> to vector<1x1x1x16xf32>
      tpu.vector_store %arg5[%swap3A_198, %swap3A_199, %swap3A_200, %swap3A_201], %swap3A_204 {add = true, strides = array<i32>} : memref<4x4x4x1024xf32, #tpu.memory_space<vmem>>, vector<1x1x1x16xf32>,
      %get3A_205 = arith.constant 0 : i32
      %get3A_206 = arith.constant 2 : i32
      %get3A_207 = arith.index_cast %get3A_205 : i32 to index
      %get3A_208 = arith.index_cast %get3A_206 : i32 to index
      %get3A_209 = arith.index_cast %mul3A_112 : i32 to index
      %get3A_210 = tpu.vector_load %arg6[%get3A_207, %get3A_208, %get3A_209] {strides = array<i32>} : memref<4x4x1024xf32, #tpu.memory_space<vmem>>, vector<1x1x16xf32>,
      %get3A_211 = vector.shape_cast %get3A_210 : vector<1x1x16xf32> to vector<16xf32>
      %swap3A_212 = arith.constant 0 : i32
      %swap3A_213 = arith.constant 2 : i32
      %swap3A_214 = arith.constant 0 : i32
      %swap3A_215 = arith.index_cast %swap3A_212 : i32 to index
      %swap3A_216 = arith.index_cast %swap3A_213 : i32 to index
      %swap3A_217 = arith.index_cast %swap3A_214 : i32 to index
      %swap3A_218 = arith.index_cast %mul3A_112 : i32 to index
      %swap3A_219 = tpu.vector_load %arg5[%swap3A_215, %swap3A_216, %swap3A_217, %swap3A_218] {strides = array<i32>} : memref<4x4x4x1024xf32, #tpu.memory_space<vmem>>, vector<1x1x1x16xf32>,
      %swap3A_220 = vector.shape_cast %swap3A_219 : vector<1x1x1x16xf32> to vector<16xf32>
      %swap3A_221 = vector.shape_cast %get3A_211 : vector<16xf32> to vector<1x1x1x16xf32>
      tpu.vector_store %arg5[%swap3A_215, %swap3A_216, %swap3A_217, %swap3A_218], %swap3A_221 {add = true, strides = array<i32>} : memref<4x4x4x1024xf32, #tpu.memory_space<vmem>>, vector<1x1x1x16xf32>,
      %swap3A_222 = arith.constant 0 : i32
      %swap3A_223 = arith.constant 2 : i32
      %swap3A_224 = arith.constant 1 : i32
      %swap3A_225 = arith.index_cast %swap3A_222 : i32 to index
      %swap3A_226 = arith.index_cast %swap3A_223 : i32 to index
      %swap3A_227 = arith.index_cast %swap3A_224 : i32 to index
      %swap3A_228 = arith.index_cast %mul3A_112 : i32 to index
      %swap3A_229 = tpu.vector_load %arg5[%swap3A_225, %swap3A_226, %swap3A_227, %swap3A_228] {strides = array<i32>} : memref<4x4x4x1024xf32, #tpu.memory_space<vmem>>, vector<1x1x1x16xf32>,
      %swap3A_230 = vector.shape_cast %swap3A_229 : vector<1x1x1x16xf32> to vector<16xf32>
      %swap3A_231 = vector.shape_cast %get3A_211 : vector<16xf32> to vector<1x1x1x16xf32>
      tpu.vector_store %arg5[%swap3A_225, %swap3A_226, %swap3A_227, %swap3A_228], %swap3A_231 {add = true, strides = array<i32>} : memref<4x4x4x1024xf32, #tpu.memory_space<vmem>>, vector<1x1x1x16xf32>,
      %swap3A_232 = arith.constant 0 : i32
      %swap3A_233 = arith.constant 2 : i32
      %swap3A_234 = arith.constant 2 : i32
      %swap3A_235 = arith.index_cast %swap3A_232 : i32 to index
      %swap3A_236 = arith.index_cast %swap3A_233 : i32 to index
      %swap3A_237 = arith.index_cast %swap3A_234 : i32 to index
      %swap3A_238 = arith.index_cast %mul3A_112 : i32 to index
      %swap3A_239 = tpu.vector_load %arg5[%swap3A_235, %swap3A_236, %swap3A_237, %swap3A_238] {strides = array<i32>} : memref<4x4x4x1024xf32, #tpu.memory_space<vmem>>, vector<1x1x1x16xf32>,
      %swap3A_240 = vector.shape_cast %swap3A_239 : vector<1x1x1x16xf32> to vector<16xf32>
      %swap3A_241 = vector.shape_cast %get3A_211 : vector<16xf32> to vector<1x1x1x16xf32>
      tpu.vector_store %arg5[%swap3A_235, %swap3A_236, %swap3A_237, %swap3A_238], %swap3A_241 {add = true, strides = array<i32>} : memref<4x4x4x1024xf32, #tpu.memory_space<vmem>>, vector<1x1x1x16xf32>,
      %swap3A_242 = arith.constant 0 : i32
      %swap3A_243 = arith.constant 2 : i32
      %swap3A_244 = arith.constant 3 : i32
      %swap3A_245 = arith.index_cast %swap3A_242 : i32 to index
      %swap3A_246 = arith.index_cast %swap3A_243 : i32 to index
      %swap3A_247 = arith.index_cast %swap3A_244 : i32 to index
      %swap3A_248 = arith.index_cast %mul3A_112 : i32 to index
      %swap3A_249 = tpu.vector_load %arg5[%swap3A_245, %swap3A_246, %swap3A_247, %swap3A_248] {strides = array<i32>} : memref<4x4x4x1024xf32, #tpu.memory_space<vmem>>, vector<1x1x1x16xf32>,
      %swap3A_250 = vector.shape_cast %swap3A_249 : vector<1x1x1x16xf32> to vector<16xf32>
      %swap3A_251 = vector.shape_cast %get3A_211 : vector<16xf32> to vector<1x1x1x16xf32>
      tpu.vector_store %arg5[%swap3A_245, %swap3A_246, %swap3A_247, %swap3A_248], %swap3A_251 {add = true, strides = array<i32>} : memref<4x4x4x1024xf32, #tpu.memory_space<vmem>>, vector<1x1x1x16xf32>,
      %get3A_252 = arith.constant 0 : i32
      %get3A_253 = arith.constant 3 : i32
      %get3A_254 = arith.index_cast %get3A_252 : i32 to index
      %get3A_255 = arith.index_cast %get3A_253 : i32 to index
      %get3A_256 = arith.index_cast %mul3A_112 : i32 to index
      %get3A_257 = tpu.vector_load %arg6[%get3A_254, %get3A_255, %get3A_256] {strides = array<i32>} : memref<4x4x1024xf32, #tpu.memory_space<vmem>>, vector<1x1x16xf32>,
      %get3A_258 = vector.shape_cast %get3A_257 : vector<1x1x16xf32> to vector<16xf32>
      %swap3A_259 = arith.constant 0 : i32
      %swap3A_260 = arith.constant 3 : i32
      %swap3A_261 = arith.constant 0 : i32
      %swap3A_262 = arith.index_cast %swap3A_259 : i32 to index
      %swap3A_263 = arith.index_cast %swap3A_260 : i32 to index
      %swap3A_264 = arith.index_cast %swap3A_261 : i32 to index
      %swap3A_265 = arith.index_cast %mul3A_112 : i32 to index
      %swap3A_266 = tpu.vector_load %arg5[%swap3A_262, %swap3A_263, %swap3A_264, %swap3A_265] {strides = array<i32>} : memref<4x4x4x1024xf32, #tpu.memory_space<vmem>>, vector<1x1x1x16xf32>,
      %swap3A_267 = vector.shape_cast %swap3A_266 : vector<1x1x1x16xf32> to vector<16xf32>
      %swap3A_268 = vector.shape_cast %get3A_258 : vector<16xf32> to vector<1x1x1x16xf32>
      tpu.vector_store %arg5[%swap3A_262, %swap3A_263, %swap3A_264, %swap3A_265], %swap3A_268 {add = true, strides = array<i32>} : memref<4x4x4x1024xf32, #tpu.memory_space<vmem>>, vector<1x1x1x16xf32>,
      %swap3A_269 = arith.constant 0 : i32
      %swap3A_270 = arith.constant 3 : i32
      %swap3A_271 = arith.constant 1 : i32
      %swap3A_272 = arith.index_cast %swap3A_269 : i32 to index
      %swap3A_273 = arith.index_cast %swap3A_270 : i32 to index
      %swap3A_274 = arith.index_cast %swap3A_271 : i32 to index
      %swap3A_275 = arith.index_cast %mul3A_112 : i32 to index
      %swap3A_276 = tpu.vector_load %arg5[%swap3A_272, %swap3A_273, %swap3A_274, %swap3A_275] {strides = array<i32>} : memref<4x4x4x1024xf32, #tpu.memory_space<vmem>>, vector<1x1x1x16xf32>,
      %swap3A_277 = vector.shape_cast %swap3A_276 : vector<1x1x1x16xf32> to vector<16xf32>
      %swap3A_278 = vector.shape_cast %get3A_258 : vector<16xf32> to vector<1x1x1x16xf32>
      tpu.vector_store %arg5[%swap3A_272, %swap3A_273, %swap3A_274, %swap3A_275], %swap3A_278 {add = true, strides = array<i32>} : memref<4x4x4x1024xf32, #tpu.memory_space<vmem>>, vector<1x1x1x16xf32>,
      %swap3A_279 = arith.constant 0 : i32
      %swap3A_280 = arith.constant 3 : i32
      %swap3A_281 = arith.constant 2 : i32
      %swap3A_282 = arith.index_cast %swap3A_279 : i32 to index
      %swap3A_283 = arith.index_cast %swap3A_280 : i32 to index
      %swap3A_284 = arith.index_cast %swap3A_281 : i32 to index
      %swap3A_285 = arith.index_cast %mul3A_112 : i32 to index
      %swap3A_286 = tpu.vector_load %arg5[%swap3A_282, %swap3A_283, %swap3A_284, %swap3A_285] {strides = array<i32>} : memref<4x4x4x1024xf32, #tpu.memory_space<vmem>>, vector<1x1x1x16xf32>,
      %swap3A_287 = vector.shape_cast %swap3A_286 : vector<1x1x1x16xf32> to vector<16xf32>
      %swap3A_288 = vector.shape_cast %get3A_258 : vector<16xf32> to vector<1x1x1x16xf32>
      tpu.vector_store %arg5[%swap3A_282, %swap3A_283, %swap3A_284, %swap3A_285], %swap3A_288 {add = true, strides = array<i32>} : memref<4x4x4x1024xf32, #tpu.memory_space<vmem>>, vector<1x1x1x16xf32>,
      %swap3A_289 = arith.constant 0 : i32
      %swap3A_290 = arith.constant 3 : i32
      %swap3A_291 = arith.constant 3 : i32
      %swap3A_292 = arith.index_cast %swap3A_289 : i32 to index
      %swap3A_293 = arith.index_cast %swap3A_290 : i32 to index
      %swap3A_294 = arith.index_cast %swap3A_291 : i32 to index
      %swap3A_295 = arith.index_cast %mul3A_112 : i32 to index
      %swap3A_296 = tpu.vector_load %arg5[%swap3A_292, %swap3A_293, %swap3A_294, %swap3A_295] {strides = array<i32>} : memref<4x4x4x1024xf32, #tpu.memory_space<vmem>>, vector<1x1x1x16xf32>,
      %swap3A_297 = vector.shape_cast %swap3A_296 : vector<1x1x1x16xf32> to vector<16xf32>
      %swap3A_298 = vector.shape_cast %get3A_258 : vector<16xf32> to vector<1x1x1x16xf32>
      tpu.vector_store %arg5[%swap3A_292, %swap3A_293, %swap3A_294, %swap3A_295], %swap3A_298 {add = true, strides = array<i32>} : memref<4x4x4x1024xf32, #tpu.memory_space<vmem>>, vector<1x1x1x16xf32>,
      %mul3A_299 = arith.constant 2 : i32
      %mul3A_300 = arith.muli %scan3A_105, %mul3A_299 : i32
      %add3A_301 = arith.constant 1 : i32
      %add3A_302 = arith.addi %mul3A_300, %add3A_301 : i32
      %mul3A_303 = arith.constant 16 : i32
      %mul3A_304 = arith.muli %add3A_302, %mul3A_303 : i32
      %get3A_305 = arith.constant 0 : i32
      %get3A_306 = arith.constant 0 : i32
      %get3A_307 = arith.index_cast %get3A_305 : i32 to index
      %get3A_308 = arith.index_cast %get3A_306 : i32 to index
      %get3A_309 = arith.index_cast %mul3A_304 : i32 to index
      %get3A_310 = tpu.vector_load %arg6[%get3A_307, %get3A_308, %get3A_309] {strides = array<i32>} : memref<4x4x1024xf32, #tpu.memory_space<vmem>>, vector<1x1x16xf32>,
      %get3A_311 = vector.shape_cast %get3A_310 : vector<1x1x16xf32> to vector<16xf32>
      %swap3A_312 = arith.constant 0 : i32
      %swap3A_313 = arith.constant 0 : i32
      %swap3A_314 = arith.constant 0 : i32
      %swap3A_315 = arith.index_cast %swap3A_312 : i32 to index
      %swap3A_316 = arith.index_cast %swap3A_313 : i32 to index
      %swap3A_317 = arith.index_cast %swap3A_314 : i32 to index
      %swap3A_318 = arith.index_cast %mul3A_304 : i32 to index
      %swap3A_319 = tpu.vector_load %arg5[%swap3A_315, %swap3A_316, %swap3A_317, %swap3A_318] {strides = array<i32>} : memref<4x4x4x1024xf32, #tpu.memory_space<vmem>>, vector<1x1x1x16xf32>,
      %swap3A_320 = vector.shape_cast %swap3A_319 : vector<1x1x1x16xf32> to vector<16xf32>
      %swap3A_321 = vector.shape_cast %get3A_311 : vector<16xf32> to vector<1x1x1x16xf32>
      tpu.vector_store %arg5[%swap3A_315, %swap3A_316, %swap3A_317, %swap3A_318], %swap3A_321 {add = true, strides = array<i32>} : memref<4x4x4x1024xf32, #tpu.memory_space<vmem>>, vector<1x1x1x16xf32>,
      %swap3A_322 = arith.constant 0 : i32
      %swap3A_323 = arith.constant 0 : i32
      %swap3A_324 = arith.constant 1 : i32
      %swap3A_325 = arith.index_cast %swap3A_322 : i32 to index
      %swap3A_326 = arith.index_cast %swap3A_323 : i32 to index
      %swap3A_327 = arith.index_cast %swap3A_324 : i32 to index
      %swap3A_328 = arith.index_cast %mul3A_304 : i32 to index
      %swap3A_329 = tpu.vector_load %arg5[%swap3A_325, %swap3A_326, %swap3A_327, %swap3A_328] {strides = array<i32>} : memref<4x4x4x1024xf32, #tpu.memory_space<vmem>>, vector<1x1x1x16xf32>,
      %swap3A_330 = vector.shape_cast %swap3A_329 : vector<1x1x1x16xf32> to vector<16xf32>
      %swap3A_331 = vector.shape_cast %get3A_311 : vector<16xf32> to vector<1x1x1x16xf32>
      tpu.vector_store %arg5[%swap3A_325, %swap3A_326, %swap3A_327, %swap3A_328], %swap3A_331 {add = true, strides = array<i32>} : memref<4x4x4x1024xf32, #tpu.memory_space<vmem>>, vector<1x1x1x16xf32>,
      %swap3A_332 = arith.constant 0 : i32
      %swap3A_333 = arith.constant 0 : i32
      %swap3A_334 = arith.constant 2 : i32
      %swap3A_335 = arith.index_cast %swap3A_332 : i32 to index
      %swap3A_336 = arith.index_cast %swap3A_333 : i32 to index
      %swap3A_337 = arith.index_cast %swap3A_334 : i32 to index
      %swap3A_338 = arith.index_cast %mul3A_304 : i32 to index
      %swap3A_339 = tpu.vector_load %arg5[%swap3A_335, %swap3A_336, %swap3A_337, %swap3A_338] {strides = array<i32>} : memref<4x4x4x1024xf32, #tpu.memory_space<vmem>>, vector<1x1x1x16xf32>,
      %swap3A_340 = vector.shape_cast %swap3A_339 : vector<1x1x1x16xf32> to vector<16xf32>
      %swap3A_341 = vector.shape_cast %get3A_311 : vector<16xf32> to vector<1x1x1x16xf32>
      tpu.vector_store %arg5[%swap3A_335, %swap3A_336, %swap3A_337, %swap3A_338], %swap3A_341 {add = true, strides = array<i32>} : memref<4x4x4x1024xf32, #tpu.memory_space<vmem>>, vector<1x1x1x16xf32>,
      %swap3A_342 = arith.constant 0 : i32
      %swap3A_343 = arith.constant 0 : i32
      %swap3A_344 = arith.constant 3 : i32
      %swap3A_345 = arith.index_cast %swap3A_342 : i32 to index
      %swap3A_346 = arith.index_cast %swap3A_343 : i32 to index
      %swap3A_347 = arith.index_cast %swap3A_344 : i32 to index
      %swap3A_348 = arith.index_cast %mul3A_304 : i32 to index
      %swap3A_349 = tpu.vector_load %arg5[%swap3A_345, %swap3A_346, %swap3A_347, %swap3A_348] {strides = array<i32>} : memref<4x4x4x1024xf32, #tpu.memory_space<vmem>>, vector<1x1x1x16xf32>,
      %swap3A_350 = vector.shape_cast %swap3A_349 : vector<1x1x1x16xf32> to vector<16xf32>
      %swap3A_351 = vector.shape_cast %get3A_311 : vector<16xf32> to vector<1x1x1x16xf32>
      tpu.vector_store %arg5[%swap3A_345, %swap3A_346, %swap3A_347, %swap3A_348], %swap3A_351 {add = true, strides = array<i32>} : memref<4x4x4x1024xf32, #tpu.memory_space<vmem>>, vector<1x1x1x16xf32>,
      %get3A_352 = arith.constant 0 : i32
      %get3A_353 = arith.constant 1 : i32
      %get3A_354 = arith.index_cast %get3A_352 : i32 to index
      %get3A_355 = arith.index_cast %get3A_353 : i32 to index
      %get3A_356 = arith.index_cast %mul3A_304 : i32 to index
      %get3A_357 = tpu.vector_load %arg6[%get3A_354, %get3A_355, %get3A_356] {strides = array<i32>} : memref<4x4x1024xf32, #tpu.memory_space<vmem>>, vector<1x1x16xf32>,
      %get3A_358 = vector.shape_cast %get3A_357 : vector<1x1x16xf32> to vector<16xf32>
      %swap3A_359 = arith.constant 0 : i32
      %swap3A_360 = arith.constant 1 : i32
      %swap3A_361 = arith.constant 0 : i32
      %swap3A_362 = arith.index_cast %swap3A_359 : i32 to index
      %swap3A_363 = arith.index_cast %swap3A_360 : i32 to index
      %swap3A_364 = arith.index_cast %swap3A_361 : i32 to index
      %swap3A_365 = arith.index_cast %mul3A_304 : i32 to index
      %swap3A_366 = tpu.vector_load %arg5[%swap3A_362, %swap3A_363, %swap3A_364, %swap3A_365] {strides = array<i32>} : memref<4x4x4x1024xf32, #tpu.memory_space<vmem>>, vector<1x1x1x16xf32>,
      %swap3A_367 = vector.shape_cast %swap3A_366 : vector<1x1x1x16xf32> to vector<16xf32>
      %swap3A_368 = vector.shape_cast %get3A_358 : vector<16xf32> to vector<1x1x1x16xf32>
      tpu.vector_store %arg5[%swap3A_362, %swap3A_363, %swap3A_364, %swap3A_365], %swap3A_368 {add = true, strides = array<i32>} : memref<4x4x4x1024xf32, #tpu.memory_space<vmem>>, vector<1x1x1x16xf32>,
      %swap3A_369 = arith.constant 0 : i32
      %swap3A_370 = arith.constant 1 : i32
      %swap3A_371 = arith.constant 1 : i32
      %swap3A_372 = arith.index_cast %swap3A_369 : i32 to index
      %swap3A_373 = arith.index_cast %swap3A_370 : i32 to index
      %swap3A_374 = arith.index_cast %swap3A_371 : i32 to index
      %swap3A_375 = arith.index_cast %mul3A_304 : i32 to index
      %swap3A_376 = tpu.vector_load %arg5[%swap3A_372, %swap3A_373, %swap3A_374, %swap3A_375] {strides = array<i32>} : memref<4x4x4x1024xf32, #tpu.memory_space<vmem>>, vector<1x1x1x16xf32>,
      %swap3A_377 = vector.shape_cast %swap3A_376 : vector<1x1x1x16xf32> to vector<16xf32>
      %swap3A_378 = vector.shape_cast %get3A_358 : vector<16xf32> to vector<1x1x1x16xf32>
      tpu.vector_store %arg5[%swap3A_372, %swap3A_373, %swap3A_374, %swap3A_375], %swap3A_378 {add = true, strides = array<i32>} : memref<4x4x4x1024xf32, #tpu.memory_space<vmem>>, vector<1x1x1x16xf32>,
      %swap3A_379 = arith.constant 0 : i32
      %swap3A_380 = arith.constant 1 : i32
      %swap3A_381 = arith.constant 2 : i32
      %swap3A_382 = arith.index_cast %swap3A_379 : i32 to index
      %swap3A_383 = arith.index_cast %swap3A_380 : i32 to index
      %swap3A_384 = arith.index_cast %swap3A_381 : i32 to index
      %swap3A_385 = arith.index_cast %mul3A_304 : i32 to index
      %swap3A_386 = tpu.vector_load %arg5[%swap3A_382, %swap3A_383, %swap3A_384, %swap3A_385] {strides = array<i32>} : memref<4x4x4x1024xf32, #tpu.memory_space<vmem>>, vector<1x1x1x16xf32>,
      %swap3A_387 = vector.shape_cast %swap3A_386 : vector<1x1x1x16xf32> to vector<16xf32>
      %swap3A_388 = vector.shape_cast %get3A_358 : vector<16xf32> to vector<1x1x1x16xf32>
      tpu.vector_store %arg5[%swap3A_382, %swap3A_383, %swap3A_384, %swap3A_385], %swap3A_388 {add = true, strides = array<i32>} : memref<4x4x4x1024xf32, #tpu.memory_space<vmem>>, vector<1x1x1x16xf32>,
      %swap3A_389 = arith.constant 0 : i32
      %swap3A_390 = arith.constant 1 : i32
      %swap3A_391 = arith.constant 3 : i32
      %swap3A_392 = arith.index_cast %swap3A_389 : i32 to index
      %swap3A_393 = arith.index_cast %swap3A_390 : i32 to index
      %swap3A_394 = arith.index_cast %swap3A_391 : i32 to index
      %swap3A_395 = arith.index_cast %mul3A_304 : i32 to index
      %swap3A_396 = tpu.vector_load %arg5[%swap3A_392, %swap3A_393, %swap3A_394, %swap3A_395] {strides = array<i32>} : memref<4x4x4x1024xf32, #tpu.memory_space<vmem>>, vector<1x1x1x16xf32>,
      %swap3A_397 = vector.shape_cast %swap3A_396 : vector<1x1x1x16xf32> to vector<16xf32>
      %swap3A_398 = vector.shape_cast %get3A_358 : vector<16xf32> to vector<1x1x1x16xf32>
      tpu.vector_store %arg5[%swap3A_392, %swap3A_393, %swap3A_394, %swap3A_395], %swap3A_398 {add = true, strides = array<i32>} : memref<4x4x4x1024xf32, #tpu.memory_space<vmem>>, vector<1x1x1x16xf32>,
      %get3A_399 = arith.constant 0 : i32
      %get3A_400 = arith.constant 2 : i32
      %get3A_401 = arith.index_cast %get3A_399 : i32 to index
      %get3A_402 = arith.index_cast %get3A_400 : i32 to index
      %get3A_403 = arith.index_cast %mul3A_304 : i32 to index
      %get3A_404 = tpu.vector_load %arg6[%get3A_401, %get3A_402, %get3A_403] {strides = array<i32>} : memref<4x4x1024xf32, #tpu.memory_space<vmem>>, vector<1x1x16xf32>,
      %get3A_405 = vector.shape_cast %get3A_404 : vector<1x1x16xf32> to vector<16xf32>
      %swap3A_406 = arith.constant 0 : i32
      %swap3A_407 = arith.constant 2 : i32
      %swap3A_408 = arith.constant 0 : i32
      %swap3A_409 = arith.index_cast %swap3A_406 : i32 to index
      %swap3A_410 = arith.index_cast %swap3A_407 : i32 to index
      %swap3A_411 = arith.index_cast %swap3A_408 : i32 to index
      %swap3A_412 = arith.index_cast %mul3A_304 : i32 to index
      %swap3A_413 = tpu.vector_load %arg5[%swap3A_409, %swap3A_410, %swap3A_411, %swap3A_412] {strides = array<i32>} : memref<4x4x4x1024xf32, #tpu.memory_space<vmem>>, vector<1x1x1x16xf32>,
      %swap3A_414 = vector.shape_cast %swap3A_413 : vector<1x1x1x16xf32> to vector<16xf32>
      %swap3A_415 = vector.shape_cast %get3A_405 : vector<16xf32> to vector<1x1x1x16xf32>
      tpu.vector_store %arg5[%swap3A_409, %swap3A_410, %swap3A_411, %swap3A_412], %swap3A_415 {add = true, strides = array<i32>} : memref<4x4x4x1024xf32, #tpu.memory_space<vmem>>, vector<1x1x1x16xf32>,
      %swap3A_416 = arith.constant 0 : i32
      %swap3A_417 = arith.constant 2 : i32
      %swap3A_418 = arith.constant 1 : i32
      %swap3A_419 = arith.index_cast %swap3A_416 : i32 to index
      %swap3A_420 = arith.index_cast %swap3A_417 : i32 to index
      %swap3A_421 = arith.index_cast %swap3A_418 : i32 to index
      %swap3A_422 = arith.index_cast %mul3A_304 : i32 to index
      %swap3A_423 = tpu.vector_load %arg5[%swap3A_419, %swap3A_420, %swap3A_421, %swap3A_422] {strides = array<i32>} : memref<4x4x4x1024xf32, #tpu.memory_space<vmem>>, vector<1x1x1x16xf32>,
      %swap3A_424 = vector.shape_cast %swap3A_423 : vector<1x1x1x16xf32> to vector<16xf32>
      %swap3A_425 = vector.shape_cast %get3A_405 : vector<16xf32> to vector<1x1x1x16xf32>
      tpu.vector_store %arg5[%swap3A_419, %swap3A_420, %swap3A_421, %swap3A_422], %swap3A_425 {add = true, strides = array<i32>} : memref<4x4x4x1024xf32, #tpu.memory_space<vmem>>, vector<1x1x1x16xf32>,
      %swap3A_426 = arith.constant 0 : i32
      %swap3A_427 = arith.constant 2 : i32
      %swap3A_428 = arith.constant 2 : i32
      %swap3A_429 = arith.index_cast %swap3A_426 : i32 to index
      %swap3A_430 = arith.index_cast %swap3A_427 : i32 to index
      %swap3A_431 = arith.index_cast %swap3A_428 : i32 to index
      %swap3A_432 = arith.index_cast %mul3A_304 : i32 to index
      %swap3A_433 = tpu.vector_load %arg5[%swap3A_429, %swap3A_430, %swap3A_431, %swap3A_432] {strides = array<i32>} : memref<4x4x4x1024xf32, #tpu.memory_space<vmem>>, vector<1x1x1x16xf32>,
      %swap3A_434 = vector.shape_cast %swap3A_433 : vector<1x1x1x16xf32> to vector<16xf32>
      %swap3A_435 = vector.shape_cast %get3A_405 : vector<16xf32> to vector<1x1x1x16xf32>
      tpu.vector_store %arg5[%swap3A_429, %swap3A_430, %swap3A_431, %swap3A_432], %swap3A_435 {add = true, strides = array<i32>} : memref<4x4x4x1024xf32, #tpu.memory_space<vmem>>, vector<1x1x1x16xf32>,
      %swap3A_436 = arith.constant 0 : i32
      %swap3A_437 = arith.constant 2 : i32
      %swap3A_438 = arith.constant 3 : i32
      %swap3A_439 = arith.index_cast %swap3A_436 : i32 to index
      %swap3A_440 = arith.index_cast %swap3A_437 : i32 to index
      %swap3A_441 = arith.index_cast %swap3A_438 : i32 to index
      %swap3A_442 = arith.index_cast %mul3A_304 : i32 to index
      %swap3A_443 = tpu.vector_load %arg5[%swap3A_439, %swap3A_440, %swap3A_441, %swap3A_442] {strides = array<i32>} : memref<4x4x4x1024xf32, #tpu.memory_space<vmem>>, vector<1x1x1x16xf32>,
      %swap3A_444 = vector.shape_cast %swap3A_443 : vector<1x1x1x16xf32> to vector<16xf32>
      %swap3A_445 = vector.shape_cast %get3A_405 : vector<16xf32> to vector<1x1x1x16xf32>
      tpu.vector_store %arg5[%swap3A_439, %swap3A_440, %swap3A_441, %swap3A_442], %swap3A_445 {add = true, strides = array<i32>} : memref<4x4x4x1024xf32, #tpu.memory_space<vmem>>, vector<1x1x1x16xf32>,
      %get3A_446 = arith.constant 0 : i32
      %get3A_447 = arith.constant 3 : i32
      %get3A_448 = arith.index_cast %get3A_446 : i32 to index
      %get3A_449 = arith.index_cast %get3A_447 : i32 to index
      %get3A_450 = arith.index_cast %mul3A_304 : i32 to index
      %get3A_451 = tpu.vector_load %arg6[%get3A_448, %get3A_449, %get3A_450] {strides = array<i32>} : memref<4x4x1024xf32, #tpu.memory_space<vmem>>, vector<1x1x16xf32>,
      %get3A_452 = vector.shape_cast %get3A_451 : vector<1x1x16xf32> to vector<16xf32>
      %swap3A_453 = arith.constant 0 : i32
      %swap3A_454 = arith.constant 3 : i32
      %swap3A_455 = arith.constant 0 : i32
      %swap3A_456 = arith.index_cast %swap3A_453 : i32 to index
      %swap3A_457 = arith.index_cast %swap3A_454 : i32 to index
      %swap3A_458 = arith.index_cast %swap3A_455 : i32 to index
      %swap3A_459 = arith.index_cast %mul3A_304 : i32 to index
      %swap3A_460 = tpu.vector_load %arg5[%swap3A_456, %swap3A_457, %swap3A_458, %swap3A_459] {strides = array<i32>} : memref<4x4x4x1024xf32, #tpu.memory_space<vmem>>, vector<1x1x1x16xf32>,
      %swap3A_461 = vector.shape_cast %swap3A_460 : vector<1x1x1x16xf32> to vector<16xf32>
      %swap3A_462 = vector.shape_cast %get3A_452 : vector<16xf32> to vector<1x1x1x16xf32>
      tpu.vector_store %arg5[%swap3A_456, %swap3A_457, %swap3A_458, %swap3A_459], %swap3A_462 {add = true, strides = array<i32>} : memref<4x4x4x1024xf32, #tpu.memory_space<vmem>>, vector<1x1x1x16xf32>,
      %swap3A_463 = arith.constant 0 : i32
      %swap3A_464 = arith.constant 3 : i32
      %swap3A_465 = arith.constant 1 : i32
      %swap3A_466 = arith.index_cast %swap3A_463 : i32 to index
      %swap3A_467 = arith.index_cast %swap3A_464 : i32 to index
      %swap3A_468 = arith.index_cast %swap3A_465 : i32 to index
      %swap3A_469 = arith.index_cast %mul3A_304 : i32 to index
      %swap3A_470 = tpu.vector_load %arg5[%swap3A_466, %swap3A_467, %swap3A_468, %swap3A_469] {strides = array<i32>} : memref<4x4x4x1024xf32, #tpu.memory_space<vmem>>, vector<1x1x1x16xf32>,
      %swap3A_471 = vector.shape_cast %swap3A_470 : vector<1x1x1x16xf32> to vector<16xf32>
      %swap3A_472 = vector.shape_cast %get3A_452 : vector<16xf32> to vector<1x1x1x16xf32>
      tpu.vector_store %arg5[%swap3A_466, %swap3A_467, %swap3A_468, %swap3A_469], %swap3A_472 {add = true, strides = array<i32>} : memref<4x4x4x1024xf32, #tpu.memory_space<vmem>>, vector<1x1x1x16xf32>,
      %swap3A_473 = arith.constant 0 : i32
      %swap3A_474 = arith.constant 3 : i32
      %swap3A_475 = arith.constant 2 : i32
      %swap3A_476 = arith.index_cast %swap3A_473 : i32 to index
      %swap3A_477 = arith.index_cast %swap3A_474 : i32 to index
      %swap3A_478 = arith.index_cast %swap3A_475 : i32 to index
      %swap3A_479 = arith.index_cast %mul3A_304 : i32 to index
      %swap3A_480 = tpu.vector_load %arg5[%swap3A_476, %swap3A_477, %swap3A_478, %swap3A_479] {strides = array<i32>} : memref<4x4x4x1024xf32, #tpu.memory_space<vmem>>, vector<1x1x1x16xf32>,
      %swap3A_481 = vector.shape_cast %swap3A_480 : vector<1x1x1x16xf32> to vector<16xf32>
      %swap3A_482 = vector.shape_cast %get3A_452 : vector<16xf32> to vector<1x1x1x16xf32>
      tpu.vector_store %arg5[%swap3A_476, %swap3A_477, %swap3A_478, %swap3A_479], %swap3A_482 {add = true, strides = array<i32>} : memref<4x4x4x1024xf32, #tpu.memory_space<vmem>>, vector<1x1x1x16xf32>,
      %swap3A_483 = arith.constant 0 : i32
      %swap3A_484 = arith.constant 3 : i32
      %swap3A_485 = arith.constant 3 : i32
      %swap3A_486 = arith.index_cast %swap3A_483 : i32 to index
      %swap3A_487 = arith.index_cast %swap3A_484 : i32 to index
      %swap3A_488 = arith.index_cast %swap3A_485 : i32 to index
      %swap3A_489 = arith.index_cast %mul3A_304 : i32 to index
      %swap3A_490 = tpu.vector_load %arg5[%swap3A_486, %swap3A_487, %swap3A_488, %swap3A_489] {strides = array<i32>} : memref<4x4x4x1024xf32, #tpu.memory_space<vmem>>, vector<1x1x1x16xf32>,
      %swap3A_491 = vector.shape_cast %swap3A_490 : vector<1x1x1x16xf32> to vector<16xf32>
      %swap3A_492 = vector.shape_cast %get3A_452 : vector<16xf32> to vector<1x1x1x16xf32>
      tpu.vector_store %arg5[%swap3A_486, %swap3A_487, %swap3A_488, %swap3A_489], %swap3A_492 {add = true, strides = array<i32>} : memref<4x4x4x1024xf32, #tpu.memory_space<vmem>>, vector<1x1x1x16xf32>,
      %scan3A_493 = arith.constant 0 : i32
      scf.yield %scan3A_493 : i32
    }
    %scan3A_68 = arith.constant 32 : i32
    %add3A_69 = arith.constant 0 : i32
    %add3A_70 = arith.addi %mul3A_2, %add3A_69 : i32
    %dma_start3A_71 = arith.constant 0 : i32
    %dma_start3A_72 = arith.constant 0 : i32
    %dma_start3A_73 = arith.constant 0 : i32
    %dma_start3A_74 = arith.constant 0 : i32
    %dma_start3A_75 = tpu.memref_slice %arg5[%dma_start3A_71, %dma_start3A_72, %dma_start3A_73, %dma_start3A_74] : memref<4x4x4x1024xf32, #tpu.memory_space<vmem>> -> memref<1x4x4x1024xf32, #tpu.memory_space<vmem>>
    %dma_start3A_76 = tpu.memref_squeeze %dma_start3A_75 : memref<1x4x4x1024xf32, #tpu.memory_space<vmem>> -> memref<4x4x1024xf32, #tpu.memory_space<vmem>>
    %dma_start3A_77 = arith.constant 0 : i32
    %dma_start3A_78 = arith.constant 0 : i32
    %dma_start3A_79 = tpu.memref_slice %arg4[%add3A_70, %dma_start3A_77, %dma_start3A_78] : memref<128x4x1024xf32, #tpu.memory_space<hbm>> -> memref<4x4x1024xf32, #tpu.memory_space<hbm>>
    %dma_start3A_80 = arith.constant 0 : i32
    %dma_start3A_81 = arith.constant 0 : i32
    %dma_start3A_82 = tpu.memref_slice %arg4[%add3A_70, %dma_start3A_80, %dma_start3A_81] : memref<128x4x1024xf32, #tpu.memory_space<hbm>> -> memref<4x4x1024xf32, #tpu.memory_space<hbm>>
    %dma_start3A_83 = arith.constant 0 : i32
    %dma_start3A_84 = arith.constant 0 : i32
    %dma_start3A_85 = arith.constant 0 : i32
    %dma_start3A_86 = tpu.memref_slice %arg5[%dma_start3A_71, %dma_start3A_83, %dma_start3A_84, %dma_start3A_85] : memref<4x4x4x1024xf32, #tpu.memory_space<vmem>> -> memref<1x4x4x1024xf32, #tpu.memory_space<vmem>>
    %dma_start3A_87 = tpu.memref_squeeze %dma_start3A_86 : memref<1x4x4x1024xf32, #tpu.memory_space<vmem>> -> memref<4x4x1024xf32, #tpu.memory_space<vmem>>
    tpu.enqueue_dma source(%dma_start3A_87 : memref<4x4x1024xf32, #tpu.memory_space<vmem>>) target(%dma_start3A_82 : memref<4x4x1024xf32, #tpu.memory_space<hbm>>) target_semaphore(%arg15 : memref<!tpu.dma_semaphore, #tpu.memory_space<semaphore_mem>>)
    %dma_wait3A_88 = arith.constant 0 : i32
    %dma_wait3A_89 = arith.constant 0 : i32
    %dma_wait3A_90 = arith.constant 0 : i32
    %dma_wait3A_91 = arith.constant 0 : i32
    %dma_wait3A_92 = tpu.memref_slice %arg5[%dma_wait3A_88, %dma_wait3A_89, %dma_wait3A_90, %dma_wait3A_91] : memref<4x4x4x1024xf32, #tpu.memory_space<vmem>> -> memref<1x4x4x1024xf32, #tpu.memory_space<vmem>>
    %dma_wait3A_93 = tpu.memref_squeeze %dma_wait3A_92 : memref<1x4x4x1024xf32, #tpu.memory_space<vmem>> -> memref<4x4x1024xf32, #tpu.memory_space<vmem>>
    %dma_wait3A_94 = arith.constant 0 : i32
    %dma_wait3A_95 = arith.constant 0 : i32
    %dma_wait3A_96 = tpu.memref_slice %arg4[%add3A_70, %dma_wait3A_94, %dma_wait3A_95] : memref<128x4x1024xf32, #tpu.memory_space<hbm>> -> memref<4x4x1024xf32, #tpu.memory_space<hbm>>
    %dma_wait3A_97 = arith.constant 0 : i32
    %dma_wait3A_98 = arith.constant 0 : i32
    %dma_wait3A_99 = tpu.memref_slice %arg4[%add3A_70, %dma_wait3A_97, %dma_wait3A_98] : memref<128x4x1024xf32, #tpu.memory_space<hbm>> -> memref<4x4x1024xf32, #tpu.memory_space<hbm>>
    %dma_wait3A_100 = arith.constant 0 : i32
    %dma_wait3A_101 = arith.constant 0 : i32
    %dma_wait3A_102 = arith.constant 0 : i32
    %dma_wait3A_103 = tpu.memref_slice %arg5[%dma_wait3A_88, %dma_wait3A_100, %dma_wait3A_101, %dma_wait3A_102] : memref<4x4x4x1024xf32, #tpu.memory_space<vmem>> -> memref<1x4x4x1024xf32, #tpu.memory_space<vmem>>
    %dma_wait3A_104 = tpu.memref_squeeze %dma_wait3A_103 : memref<1x4x4x1024xf32, #tpu.memory_space<vmem>> -> memref<4x4x1024xf32, #tpu.memory_space<vmem>>
    tpu.wait_dma2 semaphore(%arg15 : memref<!tpu.dma_semaphore, #tpu.memory_space<semaphore_mem>>) src(%dma_wait3A_104 : memref<4x4x1024xf32, #tpu.memory_space<vmem>>) dst(%dma_wait3A_99 : memref<4x4x1024xf32, #tpu.memory_space<hbm>>)
    return
  }
}

module attributes {stable_mosaic.version = 14 : i64} {
  func.func @_tc_body(%arg0: i32, %arg1: memref<128x4x1024xf32, #tpu.memory_space<vmem>>, %arg2: memref<128x1024xf32, #tpu.memory_space<vmem>>, %arg3: memref<128x4x1024xf32, #tpu.memory_space<vmem>>) attributes {dimension_semantics = [#tpu.dimension_semantics<arbitrary>], iteration_bounds = array<i64: 15>, scalar_prefetch = 0 : i64, scratch_operands = 0 : i64, tpu.core_type = #tpu.core_type<tc>, window_params = [{transform_indices = @transform_0, window_bounds = array<i64: 128, 4, 1024>}, {transform_indices = @transform_1, window_bounds = array<i64: 128, 1024>}, {transform_indices = @transform_2, window_bounds = array<i64: 128, 4, 1024>}]} {
    %get3A = arith.constant 0 : index
    %get3A_0 = arith.constant 0 : index
    %get3A_1 = vector.load %arg2[%get3A, %get3A_0] : memref<128x1024xf32, #tpu.memory_space<vmem>>, vector<128x1024xf32>
    %get3A_2 = arith.constant 0 : index
    %get3A_3 = arith.constant 0 : index
    %get3A_4 = arith.constant 0 : index
    %get3A_5 = vector.load %arg1[%get3A_2, %get3A_3, %get3A_4] : memref<128x4x1024xf32, #tpu.memory_space<vmem>>, vector<128x1x1024xf32>
    %get3A_6 = vector.shape_cast %get3A_5 : vector<128x1x1024xf32> to vector<128x1024xf32>
    %add3A = arith.addf %get3A_6, %get3A_1 : vector<128x1024xf32>
    %swap3A = arith.constant 0 : index
    %swap3A_7 = arith.constant 0 : index
    %swap3A_8 = arith.constant 0 : index
    %swap3A_9 = vector.load %arg3[%swap3A, %swap3A_7, %swap3A_8] : memref<128x4x1024xf32, #tpu.memory_space<vmem>>, vector<128x1x1024xf32>
    %swap3A_10 = vector.shape_cast %swap3A_9 : vector<128x1x1024xf32> to vector<128x1024xf32>
    %swap3A_11 = vector.shape_cast %add3A : vector<128x1024xf32> to vector<128x1x1024xf32>
    tpu.vector_store %arg3[%swap3A, %swap3A_7, %swap3A_8], %swap3A_11 {strides = array<i32>} : memref<128x4x1024xf32, #tpu.memory_space<vmem>>, vector<128x1x1024xf32>,
    %get3A_12 = arith.constant 0 : index
    %get3A_13 = arith.constant 1 : index
    %get3A_14 = arith.constant 0 : index
    %get3A_15 = vector.load %arg1[%get3A_12, %get3A_13, %get3A_14] : memref<128x4x1024xf32, #tpu.memory_space<vmem>>, vector<128x1x1024xf32>
    %get3A_16 = vector.shape_cast %get3A_15 : vector<128x1x1024xf32> to vector<128x1024xf32>
    %add3A_17 = arith.addf %get3A_16, %get3A_1 : vector<128x1024xf32>
    %swap3A_18 = arith.constant 0 : index
    %swap3A_19 = arith.constant 1 : index
    %swap3A_20 = arith.constant 0 : index
    %swap3A_21 = vector.load %arg3[%swap3A_18, %swap3A_19, %swap3A_20] : memref<128x4x1024xf32, #tpu.memory_space<vmem>>, vector<128x1x1024xf32>
    %swap3A_22 = vector.shape_cast %swap3A_21 : vector<128x1x1024xf32> to vector<128x1024xf32>
    %swap3A_23 = vector.shape_cast %add3A_17 : vector<128x1024xf32> to vector<128x1x1024xf32>
    tpu.vector_store %arg3[%swap3A_18, %swap3A_19, %swap3A_20], %swap3A_23 {strides = array<i32>} : memref<128x4x1024xf32, #tpu.memory_space<vmem>>, vector<128x1x1024xf32>,
    %get3A_24 = arith.constant 0 : index
    %get3A_25 = arith.constant 2 : index
    %get3A_26 = arith.constant 0 : index
    %get3A_27 = vector.load %arg1[%get3A_24, %get3A_25, %get3A_26] : memref<128x4x1024xf32, #tpu.memory_space<vmem>>, vector<128x1x1024xf32>
    %get3A_28 = vector.shape_cast %get3A_27 : vector<128x1x1024xf32> to vector<128x1024xf32>
    %add3A_29 = arith.addf %get3A_28, %get3A_1 : vector<128x1024xf32>
    %swap3A_30 = arith.constant 0 : index
    %swap3A_31 = arith.constant 2 : index
    %swap3A_32 = arith.constant 0 : index
    %swap3A_33 = vector.load %arg3[%swap3A_30, %swap3A_31, %swap3A_32] : memref<128x4x1024xf32, #tpu.memory_space<vmem>>, vector<128x1x1024xf32>
    %swap3A_34 = vector.shape_cast %swap3A_33 : vector<128x1x1024xf32> to vector<128x1024xf32>
    %swap3A_35 = vector.shape_cast %add3A_29 : vector<128x1024xf32> to vector<128x1x1024xf32>
    tpu.vector_store %arg3[%swap3A_30, %swap3A_31, %swap3A_32], %swap3A_35 {strides = array<i32>} : memref<128x4x1024xf32, #tpu.memory_space<vmem>>, vector<128x1x1024xf32>,
    %get3A_36 = arith.constant 0 : index
    %get3A_37 = arith.constant 3 : index
    %get3A_38 = arith.constant 0 : index
    %get3A_39 = vector.load %arg1[%get3A_36, %get3A_37, %get3A_38] : memref<128x4x1024xf32, #tpu.memory_space<vmem>>, vector<128x1x1024xf32>
    %get3A_40 = vector.shape_cast %get3A_39 : vector<128x1x1024xf32> to vector<128x1024xf32>
    %add3A_41 = arith.addf %get3A_40, %get3A_1 : vector<128x1024xf32>
    %swap3A_42 = arith.constant 0 : index
    %swap3A_43 = arith.constant 3 : index
    %swap3A_44 = arith.constant 0 : index
    %swap3A_45 = vector.load %arg3[%swap3A_42, %swap3A_43, %swap3A_44] : memref<128x4x1024xf32, #tpu.memory_space<vmem>>, vector<128x1x1024xf32>
    %swap3A_46 = vector.shape_cast %swap3A_45 : vector<128x1x1024xf32> to vector<128x1024xf32>
    %swap3A_47 = vector.shape_cast %add3A_41 : vector<128x1024xf32> to vector<128x1x1024xf32>
    tpu.vector_store %arg3[%swap3A_42, %swap3A_43, %swap3A_44], %swap3A_47 {strides = array<i32>} : memref<128x4x1024xf32, #tpu.memory_space<vmem>>, vector<128x1x1024xf32>,
    return
  }
  func.func @transform_0(%arg0: i32) -> (i32, i32, i32) {
    %add3A = arith.constant 1 : i32
    %add3A_0 = arith.addi %arg0, %add3A : i32
    %c0_i32 = arith.constant 0 : i32
    %c0_i32_1 = arith.constant 0 : i32
    %c0_i32_2 = arith.constant 0 : i32
    return %add3A_0, %c0_i32, %c0_i32_1 : i32, i32, i32
  }
  func.func @transform_1(%arg0: i32) -> (i32, i32) {
    %add3A = arith.constant 1 : i32
    %add3A_0 = arith.addi %arg0, %add3A : i32
    %c0_i32 = arith.constant 0 : i32
    %c0_i32_1 = arith.constant 0 : i32
    return %add3A_0, %c0_i32 : i32, i32
  }
  func.func @transform_2(%arg0: i32) -> (i32, i32, i32) {
    %add3A = arith.constant 1 : i32
    %add3A_0 = arith.addi %arg0, %add3A : i32
    %c0_i32 = arith.constant 0 : i32
    %c0_i32_1 = arith.constant 0 : i32
    %c0_i32_2 = arith.constant 0 : i32
    return %add3A_0, %c0_i32, %c0_i32_1 : i32, i32, i32
  }
}

</mosaic_0001>

<sc_bundles>
// kernel: kernel.4.cloned.1.call-start
scs
__scs_entry_jumppad:
0x0: {  	(pc) =	sbr.rel $0x88, $3  }
0x1: {  	(tag) =	ssettag $0x0;
	lr =	simm.s32 $0x1  }
0x2: {  	[smem:$0x3F9F] =	sst lr;
	_ =	strace $0xD0000000  }
0x3: {  	_ = 	snop  }
0x4: {  	_ = 	snop  }
0x5: {  	_ = 	snop  }
0x6: {  	_ = 	snop  }
0x7: {  	_ = 	snop  }
__scs_overlays_trampoline_lowered:
0x8: {  	[smem:$0x3FAE] =	sst s0  }
0x9: {  	[smem:$0x3FAF] =	sst s1  }
0xa: {  	[smem:$0x3FB0] =	sst s2  }
0xb: {  	[smem:$0x3FB1] =	sst s3  }
0xc: {  	[smem:$0x3FB2] =	sst s4  }
0xd: {  	[smem:$0x3FB3] =	sst s5  }
0xe: {  	[smem:$0x3FB4] =	sst s6  }
0xf: {  	[smem:$0x3FB5] =	sst s7  }
0x10: {  	[smem:$0x3FB6] =	sst s8  }
0x11: {  	[smem:$0x3FB7] =	sst s9;
	s0 =	simm.s32 @!p0 $0x0  }
0x12: {  	s1 =	sld [smem:$0x3F9D];
	s0 =	simm.s32 @p0 $0x1  }
0x13: {  	[smem:$0x3FB8] =	sst s0;
	s0 =	simm.s32 @!p1 $0x0  }
0x14: {  	s2 =	sld [smem:$0x3F9C];
	s0 =	simm.s32 @p1 $0x1  }
0x15: {  	[smem:$0x3FB9] =	sst s0;
	s0 =	simm.s32 @!p2 $0x0  }
0x16: {  	s3 =	sld [smem:$0x3FDB];
	s0 =	simm.s32 @p2 $0x1  }
0x17: {  	s4 =	simm.s32 $0x1BF5;
	[smem:$0x3FBB] =	sst s0  }
0x18: {  	s0 =	sld [smem:$0x3F9E];
	_ =	swait.ge [sflag:s4], $0x0  }
0x19: {  	s7 =	sld [smem:$0x3F9F]  }
0x1a: {  	s8 =	sadd.s32 $0xFFFFE003, lr  }
0x1b: {  	s9 =	sadd.s32 $0xFFFFFEF7, lr;
	s5 =	simm.s32 $0xFFFFFFFF;
	p2 =	slt.u32 s8, $0xFFFFF086  }
0x1c: {  	p1 =	slt.u32 s9, $0xF7A;
	s5 =	simm.s32 @!p2 $0x0  }
0x1d: {  	s5 =	simm.s32 @p1 $0x1;
	p0 =	seq.s32 s7, s2  }
0x1e: {  	s7 =	smul.u32 @!p0 $0xF7A, s2;
	p2 =	seq.s32 @!p0 s5, $0x0  }
0x1f: {  	s9 =	smul.u32 $0xF7A, s1;
	s8 =	simm.s32 @!p0 $0x1BF5;
	p2 =	por !p2, p0  }
0x20: {  	[sflag:s8] =	ssyncset.s32 @!p0 $0xFFFFF086;
	s6 =	sadd.s32 @!p0 s3, s7;
	s7 =	simm.s32 @!p0 $0x108  }
0x21: {  	s3 =	sadd.s32 s3, s9;
	s6 =	sadd.s32 @!p0 $0x88, s6;
	s7 =	simm.s32 @p2 $0x1082  }
0x22: {  	[simem:s7], [sflag:s8] =	dma.local @!p0 [hbm:s6], $0xF7A  }
0x23: {  	s9 =	sor.u32 $0xD0000000, s2;
	s6 =	simm.s32 $0x108;
	_ =	swait.ge @!p0 [sflag:s8], $0x0  }
0x24: {  	s3 =	sadd.s32 $0x88, s3;
	s6 =	simm.s32 @!p1 $0x1082;
	[sflag:s4] =	ssyncset.s32 $0xFFFFF086  }
0x25: {  	[simem:s6], [sflag:s4] =	dma.local [hbm:s3], $0xF7A  }
0x26: {  	[smem:$0x3F9F] =	sst s1;
	(tag) =	ssettag s2;
	_ =	strace s9  }
0x27: {  	s1 =	sld [smem:$0x3FAF]  }
0x28: {  	s2 =	sld [smem:$0x3FB0]  }
0x29: {  	s4 =	sld [smem:$0x3FB2]  }
0x2a: {  	p0 =	seq.s32 s5, $0x0;
	s5 =	sld [smem:$0x3FB3]  }
0x2b: {  	s6 =	sld [smem:$0x3FB4]  }
0x2c: {  	s7 =	sld [smem:$0x3FB5]  }
0x2d: {  	s3 =	simm.s32 $0x108;
	s8 =	sld [smem:$0x3FB6]  }
0x2e: {  	s3 =	simm.s32 @!p0 $0x1082;
	s9 =	sld [smem:$0x3FB7]  }
0x2f: {  	lr =	sadd.s32 s0, s3;
	s0 =	sld [smem:$0x3FAE]  }
0x30: {  	s3 =	sld [smem:$0x3FB1]  }
0x31: {  	[smem:$0x3FBA] =	sst s10  }
0x32: {  	s10 =	sld [smem:$0x3FB8];
	_ =	sdelay $0x3  }
0x33: {  	p0 =	seq.s32 s10, $0x1;
	s10 =	sld [smem:$0x3FBA];
	_ =	sdelay $0x3  }
0x34: {  	[smem:$0x3FBA] =	sst s10  }
0x35: {  	s10 =	sld [smem:$0x3FB9];
	_ =	sdelay $0x3  }
0x36: {  	p1 =	seq.s32 s10, $0x1;
	s10 =	sld [smem:$0x3FBA];
	_ =	sdelay $0x3  }
0x37: {  	[smem:$0x3FBA] =	sst s10  }
0x38: {  	s10 =	sld [smem:$0x3FBB]  }
0x39: {  	_ = 	snop;
	(pc) =	sbr.ind lr, $3  }
0x3a: {  	_ = 	snop  }
0x3b: {  	_ = 	snop  }
0x3c: {  	p2 =	seq.s32 s10, $0x1;
	s10 =	sld [smem:$0x3FBA]  }
0x3d: {  	_ =	shalt  }
0x3e: {  	_ =	shalt  }
0x3f: {  	_ =	shalt  }
0x40: {  	_ =	shalt  }
0x41: {  	_ =	shalt  }
0x42: {  	_ =	shalt  }
0x43: {  	_ =	shalt  }
0x44: {  	_ =	shalt  }
0x45: {  	_ =	shalt  }
0x46: {  	_ =	shalt  }
0x47: {  	_ =	shalt  }
0x48: {  	_ =	shalt  }
0x49: {  	_ =	shalt  }
0x4a: {  	_ =	shalt  }
0x4b: {  	_ =	shalt  }
0x4c: {  	_ =	shalt  }
0x4d: {  	_ =	shalt  }
0x4e: {  	_ =	shalt  }
0x4f: {  	_ =	shalt  }
0x50: {  	_ =	shalt  }
0x51: {  	_ =	shalt  }
0x52: {  	_ =	shalt  }
0x53: {  	_ =	shalt  }
0x54: {  	_ =	shalt  }
0x55: {  	_ =	shalt  }
0x56: {  	_ =	shalt  }
0x57: {  	_ =	shalt  }
0x58: {  	_ =	shalt  }
0x59: {  	_ =	shalt  }
0x5a: {  	_ =	shalt  }
0x5b: {  	_ =	shalt  }
0x5c: {  	_ =	shalt  }
0x5d: {  	_ =	shalt  }
0x5e: {  	_ =	shalt  }
0x5f: {  	_ =	shalt  }
0x60: {  	_ =	shalt  }
0x61: {  	_ =	shalt  }
0x62: {  	_ =	shalt  }
0x63: {  	_ =	shalt  }
0x64: {  	_ =	shalt  }
0x65: {  	_ =	shalt  }
0x66: {  	_ =	shalt  }
0x67: {  	_ =	shalt  }
0x68: {  	_ =	shalt  }
0x69: {  	_ =	shalt  }
0x6a: {  	_ =	shalt  }
0x6b: {  	_ =	shalt  }
0x6c: {  	_ =	shalt  }
0x6d: {  	_ =	shalt  }
0x6e: {  	_ =	shalt  }
0x6f: {  	_ =	shalt  }
0x70: {  	_ =	shalt  }
0x71: {  	_ =	shalt  }
0x72: {  	_ =	shalt  }
0x73: {  	_ =	shalt  }
0x74: {  	_ =	shalt  }
0x75: {  	_ =	shalt  }
0x76: {  	_ =	shalt  }
0x77: {  	_ =	shalt  }
0x78: {  	_ =	shalt  }
0x79: {  	_ =	shalt  }
0x7a: {  	_ =	shalt  }
0x7b: {  	_ =	shalt  }
0x7c: {  	_ =	shalt  }
0x7d: {  	_ =	shalt  }
0x7e: {  	_ =	shalt  }
0x7f: {  	_ =	shalt  }
0x80: {  	_ =	shalt  }
0x81: {  	_ =	shalt  }
0x82: {  	_ =	shalt  }
0x83: {  	_ =	shalt  }
0x84: {  	_ =	shalt  }
0x85: {  	_ =	shalt  }
0x86: {  	_ =	shalt  }
0x87: {  	_ =	shalt  }
.Lfunc_end0:
.L_simem_size_0:
called_computation_lowered:
.L_overlay_start_0:
0x88: {  	s2 =	sld [smem:$0x3FD9]  }
0x89: {  	s3 =	sld [smem:$0x3FFE];
	_ =	sdelay $0x1  }
0x8a: {  	s1 =	srdreg.scid  }
0x8b: {  	s0 =	sand.u32 $0x1, s1  }
0x8c: {  	s17 =	sshll.u32 s0, $0xA;
	s2 =	sadd.s32 s3, s2  }
0x8d: {  	s2 =	sadd.s32 s2, s17  }
0x8e: {  	[smem:$0x3FC6] =	sst s2  }
0x8f: {  	_ = 	snop  }
0x90: {  	s2 =	sld [smem:$0x3FC9]  }
0x91: {  	s18 =	sld [smem:$0x3FC8];
	(tm) =	ssettm $0x1  }
0x92: {  	s4 =	sld [smem:$0x3FFB];
	_ =	sdelay $0x3  }
0x93: {  	_ =	strace s4  }
0x94: {  	s4 =	sld [smem:$0x3FFC];
	_ =	sdelay $0x3  }
0x95: {  	_ =	strace s4  }
0x96: {  	s4 =	sld [smem:$0x3FFD];
	_ =	sdelay $0x3  }
0x97: {  	_ =	strace s4  }
0x98: {  	_ =	strace $0x8FFFFFFF  }
0x99: {  	s19 =	sld [smem:$0x3FDB];
	_ =	sdelay $0x1  }
0x9a: {  	s5 =	simm.s32 $_scs_section_size  }
0x9b: {  	s6 =	simm.s32 $_size__tile_overlayer_lowered;
	s7 =	simm.s32 $_tile_overlayer_lowered  }
0x9c: {  	s22 =	simm.s32 $0x1BFF;
	s21 =	sshll.u32 s7, $0x1;
	s4 =	sadd.s32 s5, s19  }
0x9d: {  	s8 =	simm.s32 $0x0;
	s20 =	sshll.u32 s6, $0x1;
	s6 =	sadd.s32 s21, s4  }
0x9e: {  	[timem:s8], [sflag:s22] =	dma.local [hbm:s6], s20  }
0x9f: {  	_ =	swait.ge [sflag:s22], s20  }
0xa0: {  	s5 =	ssub.s32 $0x0, s20;
	[sflag:s22] =	ssyncset.done $0x0  }
0xa1: {  	[sflag:s22] =	ssyncadd.s32 s5;
	_ =	sdelay $0x1  }
0xa2: {  	s23 =	simm.s32 $0x1B8B  }
0xa3: {  	_ =	swait.ge [sflag:s23], $0x1  }
0xa4: {  	[sflag:s23] =	ssyncset.done $0x0  }
0xa5: {  	s25 =	simm.s32 $0x1B8E;
	s24 =	sld [smem:$0x3FFE];
	[sflag:s23] =	ssyncadd.s32 $0xFFFFFFFF  }
0xa6: {  	s26 =	simm.s32 $execute0_lowered;
	[smem:$0x3FD2] =	sst s25  }
0xa7: {  	s6 =	sshll.u32 s26, $0x1;
	_ =	strace $0x80000046;
	[dreg:$0x1] =	wrdreg $0xFFFFFFFF  }
0xa8: {  	s28 =	simm.s32 $_size_execute0_lowered;
	s4 =	sadd.s32 s4, s6;
	[dreg:$0x0] =	wrdreg $0x0  }
0xa9: {  	s6 =	sshll.u32 s28, $0x1;
	[dreg:$0x2] =	wrdreg s4  }
0xaa: {  	[dreg:$0x3] =	wrdreg s6  }
0xab: {  	[dreg:$0x4] =	wrdreg $0xC0  }
0xac: {  	_ =	task [dreg:s8], $0x5FFFF  }
0xad: {  	[dreg:$0x1] =	wrdreg $0xFFFFFFFF  }
0xae: {  	[dreg:$0x0] =	wrdreg $0x60  }
0xaf: {  	[dreg:$0x2] =	wrdreg s2  }
0xb0: {  	[dreg:$0x3] =	wrdreg s18  }
0xb1: {  	[dreg:$0x4] =	wrdreg s24  }
0xb2: {  	[dreg:$0x5] =	wrdreg $0x9  }
0xb3: {  	_ =	task.clear_ibuf [dreg:s8], $0x6FFFF;
	_ =	strace $0x90000046  }
0xb4: {  	s29 =	simm.s32 $0x9;
	_ =	strace $0x80000048  }
0xb5: {  	_ =	swait.ge [sflag:s29], $0x1  }
0xb6: {  	[sflag:s29] =	ssyncadd.s32 $0xFFFFFFFF  }
0xb7: {  	_ =	strace $0x90000048  }
0xb8: {  	_ =	sfence  }
0xb9: {  	s30 =	sld [smem:$0x0];
	_ =	sdelay $0x2  }
0xba: {  	s31 =	sshll.u32 s1, $0xD;
	s1 =	sshrl.u32 s1, $0x2  }
0xbb: {  	s3 =	sand.u32 $0x4000, s31;
	s1 =	sadd.s32 s1, s30  }
0xbc: {  	s0 =	sor.u32 s3, s0;
	s1 =	sshll.u32 s1, $0x11  }
0xbd: {  	s0 =	sor.u32 s1, s0  }
0xbe: {  	s0 =	sadd.s32 $0x8F2B, s0  }
0xbf: {  	[sflag:s0] =	ssyncadd.remote.s32 $0x1  }
0xc0: {  	_ =	sfence.sel $0xFFFF  }
0xc1: {  	[dreg:$0x0] =	wrdreg $0xFFFFFFFF;
	(pc) =	sbr.abs _section_cstart, $3  }
0xc2: {  	[dreg:$0x1] =	wrdreg $0xFFFFFFFF  }
0xc3: {  	_ =	task.clear_ibuf [dreg:s8], $0x2FFFF;
	_ =	strace $0x9FFFFFFF  }
0xc4: {  	(tm) =	ssettm $0x7FFFFFFF  }
0xc5: {  	_ =	shalt  }
tec
execute0_lowered:
.L_overlay_start_1:
0x0: {  	(tag) =	ssettag $0x1  }
0x1: {  	s0 =	rddreg [dreg:$0x0]  }
0x2: {  	s1 =	rddreg [dreg:$0x1]  }
0x3: {  	s3 =	rddreg [dreg:$0x2]  }
0x4: {  	s4 =	srdreg.scid;
	s2 =	simm.s32 $0x0;
	s8 =	stileid.u32  }
0x5: {  	s10 =	simm.s32 $0x1;
	s11 =	simm.s32 $0x2;
	s12 =	simm.s32 $0x3  }
0x6: {  	s13 =	simm.s32 $0x0;
	s4 =	sand.u32 $0x1, s4;
	[smem:$0x7FF] =	sst s2  }
0x7: {  	s6 =	sshll.u32 s8, $0xC;
	s8 =	sshll.u32 s8, $0xA;
	s5 =	sshll.u32 s4, $0xB  }
0x8: {  	_ =	strace $0x80000047;
	s31 =	ssub.s32 $0x2, s4;
	s4 =	sshll.u32 s4, $0x6  }
0x9: {  	s5 =	sor.u32 s6, s5;
	s7 =	sshrl.u32 s31, $0x1;
	s1 =	sadd.s32 s1, s4  }
0xa: {  	s6 =	sadd.s32 s5, s3;
	s7 =	ssub.s32 s31, s7;
	s3 =	sadd.s32 s0, s5  }
0xb: {  	s4 =	sadd.s32 s8, s1;
	s5 =	sadd.s32 $0x600, s6;
	s6 =	smax.u32 s7, $0x1  }
.LBB2_1:
0xc: {  	[tilespmem:s2], [sflag:$0x1] =	stream.linear.gather [hbm4b:s3+s2], $0x4000, $0x38;
	[tilespmem:$0x14000] =	vst v63  }
0xd: {  	s0 =	simm.s32 $0x200;
	s1 =	simm.s32 $0x400;
	s7 =	simm.s32 $0x10000  }
0xe: {  	[tilespmem:s7], [sflag:$0x2] =	stream.strided.gather [hbm4b:s4+s0], $0x1000, s1, s0, $0x38;
	[tilespmem:$0x14000] =	vst v63  }
0xf: {  	_ =	swait.ge [sflag:s10], $0x4000  }
0x10: {  	[sflag:s10] =	ssyncset.done $0x0  }
0x11: {  	[sflag:s10] =	ssyncadd.s32 $0xFFFFC000  }
0x12: {  	_ =	swait.ge [sflag:s11], $0x1000  }
0x13: {  	s0 =	sand.u32 $0x60, s2;
	s1 =	sand.u32 $0xE00, s2;
	[sflag:s11] =	ssyncset.done $0x0  }
0x14: {  	s31 =	sor.u32 s0, s1;
	[sflag:s11] =	ssyncadd.s32 $0xFFFFF000  }
0x15: {  	v0 =	vld [tilespmem:s31+$0x10000];
	_ =	sdelay $0x3  }
0x16: {  	s14 =	sand.u32 $0x3, s2  }
0x17: {  	s14 =	sshll.u32 s14, $0x5;
	s15 =	sor.u32 $0x80, s31;
	[tilespmem:s31+$0x0] =	vst.add.f32.msk $0xffff, v0  }
0x18: {  	s14 =	sadd.s32 $0x0, s14;
	s8 =	sor.u32 $0x100, s31;
	[tilespmem:s15+$0x0] =	vst.add.f32.msk $0xffff, v0  }
0x19: {  	s9 =	sor.u32 $0x180, s14;
	[tilespmem:s8+$0x0] =	vst.add.f32.msk $0xffff, v0  }
0x1a: {  	[tilespmem:s9+$0x0] =	vst.add.f32.msk $0xffff, v0  }
0x1b: {  	v0 =	vld [tilespmem:s31+$0x10080];
	_ =	sdelay $0x2  }
0x1c: {  	s16 =	sor.u32 $0x1000, s1  }
0x1d: {  	s18 =	sor.u32 $0x1080, s1;
	s17 =	sor.u32 s0, s16  }
0x1e: {  	s19 =	sor.u32 $0x1100, s1;
	s22 =	sor.u32 s0, s18;
	[tilespmem:s17+$0x0] =	vst.add.f32.msk $0xffff, v0  }
0x1f: {  	s20 =	sor.u32 $0x1180, s1;
	s23 =	sor.u32 s0, s19;
	[tilespmem:s22+$0x0] =	vst.add.f32.msk $0xffff, v0  }
0x20: {  	s24 =	sor.u32 s0, s20;
	[tilespmem:s23+$0x0] =	vst.add.f32.msk $0xffff, v0  }
0x21: {  	[tilespmem:s24+$0x0] =	vst.add.f32.msk $0xffff, v0  }
0x22: {  	v0 =	vld [tilespmem:s31+$0x10100];
	_ =	sdelay $0x2  }
0x23: {  	s7 =	sor.u32 $0x2000, s1  }
0x24: {  	s21 =	sor.u32 $0x2080, s1;
	s25 =	sor.u32 s0, s7  }
0x25: {  	s26 =	sor.u32 s0, s21;
	s22 =	sor.u32 $0x2100, s1;
	[tilespmem:s25+$0x0] =	vst.add.f32.msk $0xffff, v0  }
0x26: {  	s29 =	sor.u32 s0, s22;
	s23 =	sor.u32 $0x2180, s1;
	[tilespmem:s26+$0x0] =	vst.add.f32.msk $0xffff, v0  }
0x27: {  	s30 =	sor.u32 s0, s23;
	[tilespmem:s29+$0x0] =	vst.add.f32.msk $0xffff, v0  }
0x28: {  	[tilespmem:s30+$0x0] =	vst.add.f32.msk $0xffff, v0  }
0x29: {  	v0 =	vld [tilespmem:s9+$0x10000];
	_ =	sdelay $0x2  }
0x2a: {  	s15 =	sor.u32 $0x3000, s1  }
0x2b: {  	s24 =	sor.u32 $0x3080, s1;
	s31 =	sor.u32 s0, s15  }
0x2c: {  	s8 =	sor.u32 s0, s24;
	s25 =	sor.u32 $0x3100, s1;
	[tilespmem:s31+$0x0] =	vst.add.f32.msk $0xffff, v0  }
0x2d: {  	s26 =	sor.u32 $0x3180, s1;
	s9 =	sor.u32 s0, s25;
	[tilespmem:s8+$0x0] =	vst.add.f32.msk $0xffff, v0  }
0x2e: {  	s17 =	sor.u32 $0x10, s0;
	s0 =	sor.u32 s0, s26;
	[tilespmem:s9+$0x0] =	vst.add.f32.msk $0xffff, v0  }
0x2f: {  	s29 =	sor.u32 s1, s17;
	[tilespmem:s0+$0x0] =	vst.add.f32.msk $0xffff, v0  }
0x30: {  	v0 =	vld [tilespmem:s29+$0x10000];
	_ =	sdelay $0x4  }
0x31: {  	s1 =	sor.u32 $0x80, s29;
	[tilespmem:s29+$0x0] =	vst.add.f32.msk $0xffff, v0  }
0x32: {  	s14 =	sadd.s32 $0x10, s14;
	s30 =	sor.u32 $0x100, s29;
	[tilespmem:s1+$0x0] =	vst.add.f32.msk $0xffff, v0  }
0x33: {  	s31 =	sor.u32 $0x180, s14;
	[tilespmem:s30+$0x0] =	vst.add.f32.msk $0xffff, v0  }
0x34: {  	[tilespmem:s31+$0x0] =	vst.add.f32.msk $0xffff, v0  }
0x35: {  	v0 =	vld [tilespmem:s29+$0x10080];
	_ =	sdelay $0x3  }
0x36: {  	s8 =	sor.u32 s17, s16  }
0x37: {  	s9 =	sor.u32 s17, s18;
	[tilespmem:s8+$0x0] =	vst.add.f32.msk $0xffff, v0  }
0x38: {  	s16 =	sor.u32 s17, s19;
	[tilespmem:s9+$0x0] =	vst.add.f32.msk $0xffff, v0  }
0x39: {  	s18 =	sor.u32 s17, s20;
	[tilespmem:s16+$0x0] =	vst.add.f32.msk $0xffff, v0  }
0x3a: {  	[tilespmem:s18+$0x0] =	vst.add.f32.msk $0xffff, v0  }
0x3b: {  	v0 =	vld [tilespmem:s29+$0x10100];
	_ =	sdelay $0x3  }
0x3c: {  	s19 =	sor.u32 s17, s7  }
0x3d: {  	s20 =	sor.u32 s17, s21;
	[tilespmem:s19+$0x0] =	vst.add.f32.msk $0xffff, v0  }
0x3e: {  	s21 =	sor.u32 s17, s22;
	[tilespmem:s20+$0x0] =	vst.add.f32.msk $0xffff, v0  }
0x3f: {  	s22 =	sor.u32 s17, s23;
	[tilespmem:s21+$0x0] =	vst.add.f32.msk $0xffff, v0  }
0x40: {  	[tilespmem:s22+$0x0] =	vst.add.f32.msk $0xffff, v0  }
0x41: {  	v0 =	vld [tilespmem:s31+$0x10000];
	_ =	sdelay $0x3  }
0x42: {  	s23 =	sor.u32 s17, s15  }
0x43: {  	s28 =	sor.u32 s17, s26;
	s14 =	simm.s32 $0x80;
	s30 =	sor.u32 s17, s24;
	[tilespmem:s23+$0x0] =	vst.add.f32.msk $0xffff, v0  }
0x44: {  	s15 =	simm.s32 $0x1;
	s29 =	simm.s32 $0x20;
	s31 =	sor.u32 s17, s25;
	[tilespmem:s30+$0x0] =	vst.add.f32.msk $0xffff, v0  }
0x45: {  	s0 =	simm.s32 $0x40;
	s16 =	sand.u32 $0xE00, s14;
	s17 =	sand.u32 $0x60, s29;
	[tilespmem:s31+$0x0] =	vst.add.f32.msk $0xffff, v0  }
.LBB2_2:
0x46: {  	s1 =	sor.u32 s17, s16  }
0x47: {  	s7 =	sor.u32 $0x1000, s16;
	s26 =	sor.u32 $0x1180, s16;
	[tilespmem:s28+$0x0] =	vst.add.f32.msk $0xffff, v0;
	s19 =	smov.u32 s0  }
0x48: {  	s18 =	sadd.s32 $0x20, s0;
	s22 =	sor.u32 $0x10, s17;
	v0 =	vld [tilespmem:s1+$0x10000];
	s23 =	sor.u32 $0x80, s1  }
0x49: {  	p0 =	sne.s32 s0, $0x3E0;
	s21 =	sor.u32 s22, s7;
	s20 =	sor.u32 s22, s26  }
0x4a: {  	_ =	sdelay $0x1  }
0x4b: {  	s0 =	sand.u32 $0x3, s15  }
0x4c: {  	s0 =	sshll.u32 s0, $0x5;
	[tilespmem:s1+$0x0] =	vst.add.f32.msk $0xffff, v0  }
0x4d: {  	s0 =	sadd.s32 s0, s14;
	[tilespmem:s23+$0x0] =	vst.add.f32.msk $0xffff, v0;
	s23 =	sor.u32 $0x100, s1  }
0x4e: {  	s28 =	sor.u32 $0x180, s0;
	[tilespmem:s23+$0x0] =	vst.add.f32.msk $0xffff, v0;
	s23 =	sadd.s32 $0x10, s0  }
0x4f: {  	[tilespmem:s28+$0x0] =	vst.add.f32.msk $0xffff, v0  }
0x50: {  	v0 =	vld [tilespmem:s1+$0x10080];
	_ =	sdelay $0x3  }
0x51: {  	s0 =	sor.u32 s17, s7;
	s7 =	sor.u32 $0x1080, s16  }
0x52: {  	s25 =	sor.u32 $0x1100, s16;
	s24 =	sor.u32 s22, s7;
	[tilespmem:s0+$0x0] =	vst.add.f32.msk $0xffff, v0;
	s0 =	sor.u32 s17, s7  }
0x53: {  	[tilespmem:s0+$0x0] =	vst.add.f32.msk $0xffff, v0;
	s0 =	sor.u32 s17, s25;
	s25 =	sor.u32 s22, s25  }
0x54: {  	[tilespmem:s0+$0x0] =	vst.add.f32.msk $0xffff, v0;
	s0 =	sor.u32 s17, s26  }
0x55: {  	[tilespmem:s0+$0x0] =	vst.add.f32.msk $0xffff, v0  }
0x56: {  	v0 =	vld [tilespmem:s1+$0x10100];
	_ =	sdelay $0x2  }
0x57: {  	s0 =	sor.u32 $0x2000, s16  }
0x58: {  	s7 =	sor.u32 $0x2080, s16;
	s1 =	sor.u32 s17, s0;
	s26 =	sor.u32 s22, s0  }
0x59: {  	s29 =	sor.u32 s22, s7;
	s0 =	sor.u32 s17, s7;
	[tilespmem:s1+$0x0] =	vst.add.f32.msk $0xffff, v0;
	s1 =	sor.u32 $0x2100, s16  }
0x5a: {  	s7 =	sor.u32 $0x2180, s16;
	[tilespmem:s0+$0x0] =	vst.add.f32.msk $0xffff, v0;
	s0 =	sor.u32 s17, s1;
	s30 =	sor.u32 s22, s1  }
0x5b: {  	s31 =	sor.u32 s22, s7;
	[tilespmem:s0+$0x0] =	vst.add.f32.msk $0xffff, v0;
	s0 =	sor.u32 s17, s7  }
0x5c: {  	[tilespmem:s0+$0x0] =	vst.add.f32.msk $0xffff, v0  }
0x5d: {  	v0 =	vld [tilespmem:s28+$0x10000];
	_ =	sdelay $0x2  }
0x5e: {  	s0 =	sor.u32 $0x3000, s16  }
0x5f: {  	s7 =	sor.u32 $0x3080, s16;
	s1 =	sor.u32 s17, s0;
	s0 =	sor.u32 s22, s0  }
0x60: {  	s8 =	sor.u32 $0x3100, s16;
	s28 =	sor.u32 s17, s7;
	[tilespmem:s1+$0x0] =	vst.add.f32.msk $0xffff, v0;
	s1 =	sor.u32 s22, s7  }
0x61: {  	s9 =	sor.u32 $0x3180, s16;
	s7 =	sor.u32 s22, s8;
	[tilespmem:s28+$0x0] =	vst.add.f32.msk $0xffff, v0;
	s28 =	sor.u32 s17, s8  }
0x62: {  	s8 =	sor.u32 s17, s9;
	[tilespmem:s28+$0x0] =	vst.add.f32.msk $0xffff, v0;
	s28 =	sor.u32 s22, s9  }
0x63: {  	[tilespmem:s8+$0x0] =	vst.add.f32.msk $0xffff, v0;
	s8 =	sor.u32 s16, s22  }
0x64: {  	v0 =	vld [tilespmem:s8+$0x10000];
	_ =	sdelay $0x4  }
0x65: {  	s9 =	sor.u32 $0x80, s8;
	[tilespmem:s8+$0x0] =	vst.add.f32.msk $0xffff, v0  }
0x66: {  	[tilespmem:s9+$0x0] =	vst.add.f32.msk $0xffff, v0;
	s9 =	sor.u32 $0x100, s8  }
0x67: {  	[tilespmem:s9+$0x0] =	vst.add.f32.msk $0xffff, v0;
	s9 =	sor.u32 $0x180, s23  }
0x68: {  	[tilespmem:s9+$0x0] =	vst.add.f32.msk $0xffff, v0  }
0x69: {  	v0 =	vld [tilespmem:s8+$0x10080];
	_ =	sdelay $0x4  }
0x6a: {  	[tilespmem:s21+$0x0] =	vst.add.f32.msk $0xffff, v0  }
0x6b: {  	[tilespmem:s24+$0x0] =	vst.add.f32.msk $0xffff, v0  }
0x6c: {  	[tilespmem:s25+$0x0] =	vst.add.f32.msk $0xffff, v0  }
0x6d: {  	[tilespmem:s20+$0x0] =	vst.add.f32.msk $0xffff, v0  }
0x6e: {  	v0 =	vld [tilespmem:s8+$0x10100];
	_ =	sdelay $0x4  }
0x6f: {  	[tilespmem:s26+$0x0] =	vst.add.f32.msk $0xffff, v0  }
0x70: {  	[tilespmem:s29+$0x0] =	vst.add.f32.msk $0xffff, v0  }
0x71: {  	[tilespmem:s30+$0x0] =	vst.add.f32.msk $0xffff, v0  }
0x72: {  	[tilespmem:s31+$0x0] =	vst.add.f32.msk $0xffff, v0  }
0x73: {  	v0 =	vld [tilespmem:s9+$0x10000];
	_ =	sdelay $0x2  }
.Ltmp0:
0x74: {  	(pc) =	sbr.rel @p0 .LBB2_2-.Ltmp0, $4  }
0x75: {  	_ = 	snop  }
0x76: {  	[tilespmem:s0+$0x0] =	vst.add.f32.msk $0xffff, v0  }
0x77: {  	s15 =	sadd.s32 $0x1, s15;
	s14 =	sadd.s32 $0x80, s14;
	[tilespmem:s1+$0x0] =	vst.add.f32.msk $0xffff, v0  }
0x78: {  	s17 =	sand.u32 $0x60, s19;
	s16 =	sand.u32 $0xE00, s14;
	s0 =	smov.u32 s18;
	[tilespmem:s7+$0x0] =	vst.add.f32.msk $0xffff, v0  }
0x79: {  	s0 =	sor.u32 s17, s16;
	[tilespmem:s28+$0x0] =	vst.add.f32.msk $0xffff, v0  }
0x7a: {  	v0 =	vld [tilespmem:s0+$0x10000];
	_ =	sdelay $0x3  }
0x7b: {  	s1 =	sand.u32 $0x3, s15  }
0x7c: {  	s7 =	sor.u32 $0x80, s0;
	s1 =	sshll.u32 s1, $0x5;
	[tilespmem:s0+$0x0] =	vst.add.f32.msk $0xffff, v0  }
0x7d: {  	s29 =	sor.u32 $0x100, s0;
	s1 =	sadd.s32 s1, s14;
	[tilespmem:s7+$0x0] =	vst.add.f32.msk $0xffff, v0  }
0x7e: {  	s30 =	sor.u32 $0x180, s1;
	[tilespmem:s29+$0x0] =	vst.add.f32.msk $0xffff, v0  }
0x7f: {  	[tilespmem:s30+$0x0] =	vst.add.f32.msk $0xffff, v0  }
0x80: {  	v0 =	vld [tilespmem:s0+$0x10080];
	_ =	sdelay $0x2  }
0x81: {  	s8 =	sor.u32 $0x1000, s16  }
0x82: {  	s9 =	sor.u32 s17, s8;
	s14 =	sor.u32 $0x1080, s16  }
0x83: {  	s15 =	sor.u32 $0x1100, s16;
	s31 =	sor.u32 s17, s14;
	[tilespmem:s9+$0x0] =	vst.add.f32.msk $0xffff, v0  }
0x84: {  	s18 =	sor.u32 $0x1180, s16;
	s19 =	sor.u32 s17, s15;
	[tilespmem:s31+$0x0] =	vst.add.f32.msk $0xffff, v0  }
0x85: {  	s20 =	sor.u32 s17, s18;
	[tilespmem:s19+$0x0] =	vst.add.f32.msk $0xffff, v0  }
0x86: {  	[tilespmem:s20+$0x0] =	vst.add.f32.msk $0xffff, v0  }
0x87: {  	v0 =	vld [tilespmem:s0+$0x10100];
	_ =	sdelay $0x2  }
0x88: {  	s0 =	sor.u32 $0x2000, s16  }
0x89: {  	s19 =	sor.u32 $0x2080, s16;
	s21 =	sor.u32 s17, s0  }
0x8a: {  	s22 =	sor.u32 s17, s19;
	s20 =	sor.u32 $0x2100, s16;
	[tilespmem:s21+$0x0] =	vst.add.f32.msk $0xffff, v0  }
0x8b: {  	s23 =	sor.u32 s17, s20;
	s21 =	sor.u32 $0x2180, s16;
	[tilespmem:s22+$0x0] =	vst.add.f32.msk $0xffff, v0  }
0x8c: {  	s24 =	sor.u32 s17, s21;
	[tilespmem:s23+$0x0] =	vst.add.f32.msk $0xffff, v0  }
0x8d: {  	[tilespmem:s24+$0x0] =	vst.add.f32.msk $0xffff, v0  }
0x8e: {  	v0 =	vld [tilespmem:s30+$0x10000];
	_ =	sdelay $0x2  }
0x8f: {  	s7 =	sor.u32 $0x3000, s16  }
0x90: {  	s25 =	sor.u32 s17, s7;
	s22 =	sor.u32 $0x3080, s16  }
0x91: {  	s26 =	sor.u32 s17, s22;
	s23 =	sor.u32 $0x3100, s16;
	[tilespmem:s25+$0x0] =	vst.add.f32.msk $0xffff, v0  }
0x92: {  	s28 =	sor.u32 s17, s23;
	s24 =	sor.u32 $0x3180, s16;
	[tilespmem:s26+$0x0] =	vst.add.f32.msk $0xffff, v0  }
0x93: {  	s29 =	sor.u32 s17, s24;
	s25 =	sor.u32 $0x10, s17;
	[tilespmem:s28+$0x0] =	vst.add.f32.msk $0xffff, v0  }
0x94: {  	s30 =	sor.u32 s16, s25;
	[tilespmem:s29+$0x0] =	vst.add.f32.msk $0xffff, v0  }
0x95: {  	v0 =	vld [tilespmem:s30+$0x10000];
	_ =	sdelay $0x4  }
0x96: {  	s16 =	sor.u32 $0x80, s30;
	[tilespmem:s30+$0x0] =	vst.add.f32.msk $0xffff, v0  }
0x97: {  	s1 =	sadd.s32 $0x10, s1;
	s31 =	sor.u32 $0x100, s30;
	[tilespmem:s16+$0x0] =	vst.add.f32.msk $0xffff, v0  }
0x98: {  	s1 =	sor.u32 $0x180, s1;
	[tilespmem:s31+$0x0] =	vst.add.f32.msk $0xffff, v0  }
0x99: {  	[tilespmem:s1+$0x0] =	vst.add.f32.msk $0xffff, v0  }
0x9a: {  	v0 =	vld [tilespmem:s30+$0x10080];
	_ =	sdelay $0x3  }
0x9b: {  	s8 =	sor.u32 s25, s8  }
0x9c: {  	s14 =	sor.u32 s25, s14;
	[tilespmem:s8+$0x0] =	vst.add.f32.msk $0xffff, v0  }
0x9d: {  	s17 =	sor.u32 s25, s15;
	[tilespmem:s14+$0x0] =	vst.add.f32.msk $0xffff, v0  }
0x9e: {  	s18 =	sor.u32 s25, s18;
	[tilespmem:s17+$0x0] =	vst.add.f32.msk $0xffff, v0  }
0x9f: {  	[tilespmem:s18+$0x0] =	vst.add.f32.msk $0xffff, v0  }
0xa0: {  	v0 =	vld [tilespmem:s30+$0x10100];
	_ =	sdelay $0x3  }
0xa1: {  	s0 =	sor.u32 s25, s0  }
0xa2: {  	s19 =	sor.u32 s25, s19;
	[tilespmem:s0+$0x0] =	vst.add.f32.msk $0xffff, v0  }
0xa3: {  	s20 =	sor.u32 s25, s20;
	[tilespmem:s19+$0x0] =	vst.add.f32.msk $0xffff, v0  }
0xa4: {  	s26 =	sor.u32 s25, s21;
	[tilespmem:s20+$0x0] =	vst.add.f32.msk $0xffff, v0  }
0xa5: {  	[tilespmem:s26+$0x0] =	vst.add.f32.msk $0xffff, v0  }
0xa6: {  	v0 =	vld [tilespmem:s1+$0x10000];
	_ =	sdelay $0x3  }
0xa7: {  	s28 =	sor.u32 s25, s7  }
0xa8: {  	s29 =	sor.u32 s25, s22;
	[tilespmem:s28+$0x0] =	vst.add.f32.msk $0xffff, v0  }
0xa9: {  	s13 =	sadd.s32 $0x1, s13;
	s30 =	sor.u32 s25, s23;
	[tilespmem:s29+$0x0] =	vst.add.f32.msk $0xffff, v0  }
0xaa: {  	p0 =	sne.s32 s13, s6;
	s31 =	sor.u32 s25, s24;
	[tilespmem:s30+$0x0] =	vst.add.f32.msk $0xffff, v0  }
.Ltmp1:
0xab: {  	[tilespmem:s31+$0x0] =	vst.add.f32.msk $0xffff, v0;
	(pc) =	sbr.rel @p0 .LBB2_1-.Ltmp1, $4  }
0xac: {  	[hbm4b:s5+s2] =	stream.linear.scatter [tilespmem:s2], [sflag:$0x3], $0x4000, $0x38;
	[tilespmem:$0x14000] =	vst v63  }
0xad: {  	_ =	swait.ge [sflag:s12], $0x4000  }
0xae: {  	[sflag:s12] =	ssyncset.done $0x0  }
0xaf: {  	[sflag:s12] =	ssyncadd.s32 $0xFFFFC000  }
0xb0: {  	_ =	sfence.sel $0x180000  }
0xb1: {  	[bflag:$0x0] =	sbarrier.arrive $0xFFFF  }
0xb2: {  	_ =	strace $0x90000047  }
0xb3: {  	s0 =	stileid.u32;
	[bflag:$0x2] =	sbarrier.arrive $0xFFFF  }
0xb4: {  	p0 =	sne.s32 s0, $0x0;
	s0 =	rddreg [dreg:$0x3]  }
0xb5: {  	s0 =	sadd.s32 @!p0 $0x100000, s0  }
0xb6: {  	[sflag:s0] =	ssyncadd.tile.s32 @!p0 $0x1;
	_ =	shalt  }
.Lfunc_end2:
_tile_overlayer_lowered:
.L_overlay_start_2:
0xb7: {  	(tag) =	ssettag $0x2  }
0xb8: {  	s0 =	rddreg [dreg:$0x0];
	s2 =	stileid.u32  }
0xb9: {  	s1 =	rddreg [dreg:$0x1];
	p0 =	sne.s32 s2, $0x0  }
0xba: {  	s3 =	rddreg [dreg:$0x2];
	[bflag:$0x3] =	sbarrier.arrive $0xFFFF;
	s2 =	simm.s32 @!p0 $0x1C04  }
0xbb: {  	[timem:s3], [sflag:s2] =	dma.local @!p0 [hbm:s0], s1  }
0xbc: {  	s0 =	simm.s32 @!p0 $0x4  }
0xbd: {  	_ =	swait.ge @!p0 [sflag:s0], s1  }
0xbe: {  	s1 =	ssub.s32 @!p0 $0x0, s1;
	[sflag:s0] =	ssyncset.done @!p0 $0x0  }
0xbf: {  	[sflag:s0] =	ssyncadd.s32 @!p0 s1  }
0xc0: {  	[bflag:$0x3] =	sbarrier.arrive $0xFFFF  }
0xc1: {  	_ =	shalt  }

</sc_bundles>
